<compile_context>
chip_gen: v7x
topology: tpu7x:2x2x1
jax: 0.10.2.dev20260603
libtpu: 0.0.44.dev20260713+nightly
codegen_flags: <defaults>
</compile_context>

<pallas_src>
import functools

import jax
import jax.numpy as jnp
from jax import lax
from jax.experimental import pallas as pl
from jax.experimental.pallas import tpu as pltpu
from jax.experimental.pallas import tpu_sc as plsc

VOCAB = 65
T = 8
BATCH = 16384
ROWS = BATCH * T
PADW = 128
GROUP = 128
NBUF = 6


def _fused_table_tc(tok_ref, pos_ref, w_ref, b_ref, out_ref):
    tok_w = jnp.dot(tok_ref[...], w_ref[...], preferred_element_type=jnp.float32)
    pos_w = jnp.dot(pos_ref[...], w_ref[...], preferred_element_type=jnp.float32)
    pos_w = pos_w + b_ref[...][None, :]
    out_ref[...] = tok_w[:, None, :] + pos_w[None, :, :]


def _make_sc_gather(num_workers):
    rows_per_w = ROWS // num_workers
    groups = rows_per_w // GROUP
    mesh = plsc.VectorSubcoreMesh(core_axis_name="c", subcore_axis_name="s")

    @functools.partial(
        pl.kernel,
        mesh=mesh,
        out_type=jax.ShapeDtypeStruct((ROWS, PADW), jnp.float32),
        scratch_types=[
            pltpu.VMEM((rows_per_w,), jnp.int32),
            pltpu.VMEM((groups, GROUP), jnp.int32),
            *[pltpu.VMEM((GROUP, PADW), jnp.float32) for _ in range(NBUF)],
            *[pltpu.SemaphoreType.DMA for _ in range(NBUF)],
            *[pltpu.SemaphoreType.DMA for _ in range(NBUF)],
        ],
    )
    def sc_gather(x_hbm, fused_hbm, out_hbm, x_v, idx_v, *bufs_and_sems):
        rows_bufs = bufs_and_sems[:NBUF]
        gather_sems = bufs_and_sems[NBUF:2 * NBUF]
        write_sems = bufs_and_sems[2 * NBUF:3 * NBUF]

        num_cores = lax.axis_size("c")
        wid = lax.axis_index("s") * num_cores + lax.axis_index("c")
        base = wid * rows_per_w
        pltpu.sync_copy(x_hbm.at[pl.ds(base, rows_per_w)], x_v)

        tpat = lax.rem(lax.iota(jnp.int32, 16), T)

        def idx_body(g, _):
            v = x_v[pl.ds(g * 16, 16)] * T + tpat
            idx_v[g >> 3, pl.ds((g & 7) * 16, 16)] = v
            return 0

        lax.fori_loop(0, rows_per_w // 16, idx_body, 0)

        def gather(g, s):
            return pltpu.async_copy(
                fused_hbm.at[idx_v.at[g]], rows_bufs[s], gather_sems[s])

        gather_h = [None] * NBUF
        write_h = [None] * NBUF
        for g in range(NBUF - 1):
            gather_h[g] = gather(g, g)
        for g in range(groups):
            s = g % NBUF
            n = g + NBUF - 1
            if n < groups:
                ns = n % NBUF
                if write_h[ns] is not None:
                    write_h[ns].wait()
                    write_h[ns] = None
                gather_h[ns] = gather(n, ns)
            gather_h[s].wait()
            write_h[s] = pltpu.async_copy(
                rows_bufs[s],
                out_hbm.at[pl.ds(base + g * GROUP, GROUP)],
                write_sems[s])
        for s in range(NBUF):
            if write_h[s] is not None:
                write_h[s].wait()

    return sc_gather


def kernel(x, tok_table, pos_table, W, b):
    B, t = x.shape
    w_pad = jnp.pad(W, ((0, 0), (0, PADW - VOCAB)))
    b_pad = jnp.pad(b, (0, PADW - VOCAB))
    fused3 = pl.pallas_call(
        _fused_table_tc,
        out_shape=jax.ShapeDtypeStruct((VOCAB, T, PADW), jnp.float32),
    )(tok_table, pos_table, w_pad, b_pad)
    fused = fused3.reshape(VOCAB * T, PADW)

    info = plsc.get_sparse_core_info()
    num_workers = info.num_cores * info.num_subcores
    x_flat = x.reshape(-1).astype(jnp.int32)
    out = _make_sc_gather(num_workers)(x_flat, fused)
    return out.reshape(B, t, PADW)[:, :, :VOCAB]

# --- scband reference (transcript-rebuilt; emitter-appended) ---
"""Pipeline reference for scband-bigram-lm-31301721653925 (READ-ONLY COPY).

The authoritative reference and input builder live on the scoring server;
editing this copy changes nothing except your own understanding.
"""

import jax, jax.numpy as jnp
import numpy as np

VOCAB_SIZE = 65
BLOCK_SIZE = 8
N_EMBD = 32
BATCH = 16384

def setup_inputs(seed: int = 0) -> dict:
    key = jax.random.key(seed)
    k1, k2, k3, k4 = jax.random.split(key, 4)
    x = jax.random.randint(k1, (BATCH, BLOCK_SIZE), 0, VOCAB_SIZE)
    tok_table = jax.random.normal(k2, (VOCAB_SIZE, N_EMBD), dtype=jnp.float32) * 0.02
    pos_table = jax.random.normal(k3, (BLOCK_SIZE, N_EMBD), dtype=jnp.float32) * 0.02
    W = jax.random.normal(k4, (N_EMBD, VOCAB_SIZE), dtype=jnp.float32) * (1.0 / np.sqrt(N_EMBD))
    b = jnp.zeros((VOCAB_SIZE,), dtype=jnp.float32)
    return {"x": x, "tok_table": tok_table, "pos_table": pos_table, "W": W, "b": b}

def reference(x, tok_table, pos_table, W, b):
    B, T = x.shape
    tok_emb = jnp.take(tok_table, x, axis=0)            # [B, T, n_embd] embedding gather
    pos_emb = jnp.take(pos_table, jnp.arange(T), axis=0)  # [T, n_embd]
    h = tok_emb + pos_emb[None, :, :]
    logits = jnp.einsum('btc,cv->btv', h, W) + b
    return logits

if __name__ == "__main__":
    import jax
    _d = setup_inputs()
    print(jax.jit(kernel)(*tuple(_d.values())))

</pallas_src>

<mosaic_0001>
#map = affine_map<(d0, d1) -> (0)>
#map1 = affine_map<(d0, d1) -> (0, 0)>
module attributes {stable_mosaic.version = 14 : i64} {
  func.func @sc_gather(%arg0: i32, %arg1: i32, %arg2: memref<131072xi32, #tpu.memory_space<hbm>>, %arg3: memref<520x128xf32, #tpu.memory_space<hbm>>, %arg4: memref<131072x128xf32, #tpu.memory_space<hbm>>, %arg5: memref<4096xi32, #tpu.memory_space<vmem>>, %arg6: memref<32x128xi32, #tpu.memory_space<vmem>>, %arg7: memref<128x128xf32, #tpu.memory_space<vmem>>, %arg8: memref<128x128xf32, #tpu.memory_space<vmem>>, %arg9: memref<128x128xf32, #tpu.memory_space<vmem>>, %arg10: memref<128x128xf32, #tpu.memory_space<vmem>>, %arg11: memref<128x128xf32, #tpu.memory_space<vmem>>, %arg12: memref<128x128xf32, #tpu.memory_space<vmem>>, %arg13: memref<!tpu.dma_semaphore, #tpu.memory_space<semaphore_mem>>, %arg14: memref<!tpu.dma_semaphore, #tpu.memory_space<semaphore_mem>>, %arg15: memref<!tpu.dma_semaphore, #tpu.memory_space<semaphore_mem>>, %arg16: memref<!tpu.dma_semaphore, #tpu.memory_space<semaphore_mem>>, %arg17: memref<!tpu.dma_semaphore, #tpu.memory_space<semaphore_mem>>, %arg18: memref<!tpu.dma_semaphore, #tpu.memory_space<semaphore_mem>>, %arg19: memref<!tpu.dma_semaphore, #tpu.memory_space<semaphore_mem>>, %arg20: memref<!tpu.dma_semaphore, #tpu.memory_space<semaphore_mem>>, %arg21: memref<!tpu.dma_semaphore, #tpu.memory_space<semaphore_mem>>, %arg22: memref<!tpu.dma_semaphore, #tpu.memory_space<semaphore_mem>>, %arg23: memref<!tpu.dma_semaphore, #tpu.memory_space<semaphore_mem>>, %arg24: memref<!tpu.dma_semaphore, #tpu.memory_space<semaphore_mem>>) attributes {dimension_semantics = [#tpu.dimension_semantics<core_parallel>, #tpu.dimension_semantics<subcore_parallel>], iteration_bounds = array<i64: 2, 16>, scalar_prefetch = 0 : i64, scratch_operands = 20 : i64, tpu.core_type = #tpu.core_type<sc_vector_subcore>, window_params = [{transform_indices = #map}, {transform_indices = #map1}, {transform_indices = #map1}]} {
    %mul3A = arith.constant 2 : i32
    %mul3A_0 = arith.muli %arg1, %mul3A : i32
    %add3A = arith.addi %mul3A_0, %arg0 : i32
    %mul3A_1 = arith.constant 4096 : i32
    %mul3A_2 = arith.muli %add3A, %mul3A_1 : i32
    "tpu.region"() ({
      %run_scoped3A = tpu.sem_alloc : memref<!tpu.dma_semaphore, #tpu.memory_space<semaphore_mem>>
      %dma_start3A_777 = tpu.memref_slice %arg2[%mul3A_2] : memref<131072xi32, #tpu.memory_space<hbm>> -> memref<4096xi32, #tpu.memory_space<hbm>>
      %dma_start3A_778 = tpu.memref_slice %arg2[%mul3A_2] : memref<131072xi32, #tpu.memory_space<hbm>> -> memref<4096xi32, #tpu.memory_space<hbm>>
      tpu.enqueue_dma source(%dma_start3A_778 : memref<4096xi32, #tpu.memory_space<hbm>>) target(%arg5 : memref<4096xi32, #tpu.memory_space<vmem>>) target_semaphore(%run_scoped3A : memref<!tpu.dma_semaphore, #tpu.memory_space<semaphore_mem>>)
      %dma_wait3A_779 = tpu.memref_slice %arg2[%mul3A_2] : memref<131072xi32, #tpu.memory_space<hbm>> -> memref<4096xi32, #tpu.memory_space<hbm>>
      %dma_wait3A_780 = tpu.memref_slice %arg2[%mul3A_2] : memref<131072xi32, #tpu.memory_space<hbm>> -> memref<4096xi32, #tpu.memory_space<hbm>>
      tpu.wait_dma2 semaphore(%run_scoped3A : memref<!tpu.dma_semaphore, #tpu.memory_space<semaphore_mem>>) src(%dma_wait3A_780 : memref<4096xi32, #tpu.memory_space<hbm>>) dst(%arg5 : memref<4096xi32, #tpu.memory_space<vmem>>)
      tpu.yield
    }) : () -> ()
    %iota3A = tpu.iota {dimensions = array<i32: 0>} : vector<16xi32>
    %rem3A = arith.constant 8 : i32
    %rem3A_3 = vector.broadcast %rem3A : i32 to vector<16xi32>
    %rem3A_4 = arith.remsi %iota3A, %rem3A_3 : vector<16xi32>
    %scan3A = arith.constant 0 : i32
    %scan3A_5 = arith.constant 0 : i32
    %scan3A_6 = arith.constant 256 : i32
    %scan3A_7 = arith.addi %scan3A_5, %scan3A_6 : i32
    %scan3A_8 = arith.constant 1 : i32
    %scan3A_9 = scf.for %scan3A_777 = %scan3A_5 to %scan3A_7 step %scan3A_8 iter_args(%scan3A_778 = %scan3A) -> (i32)  : i32 {
      %mul3A_779 = arith.constant 16 : i32
      %mul3A_780 = arith.muli %scan3A_777, %mul3A_779 : i32
      %get3A = arith.index_cast %mul3A_780 : i32 to index
      %get3A_781 = tpu.vector_load %arg5[%get3A] {strides = array<i32>} : memref<4096xi32, #tpu.memory_space<vmem>>, vector<16xi32>,
      %get3A_782 = vector.shape_cast %get3A_781 : vector<16xi32> to vector<16xi32>
      %mul3A_783 = arith.constant 8 : i32
      %mul3A_784 = vector.broadcast %mul3A_783 : i32 to vector<16xi32>
      %mul3A_785 = arith.muli %get3A_782, %mul3A_784 : vector<16xi32>
      %add3A_786 = arith.addi %mul3A_785, %rem3A_4 : vector<16xi32>
      %shift_right_arithmetic3A = arith.constant 3 : i32
      %shift_right_arithmetic3A_787 = arith.shrsi %scan3A_777, %shift_right_arithmetic3A : i32
      %and3A = arith.constant 7 : i32
      %and3A_788 = arith.andi %scan3A_777, %and3A : i32
      %mul3A_789 = arith.constant 16 : i32
      %mul3A_790 = arith.muli %and3A_788, %mul3A_789 : i32
      %swap3A = arith.index_cast %shift_right_arithmetic3A_787 : i32 to index
      %swap3A_791 = arith.index_cast %mul3A_790 : i32 to index
      %swap3A_792 = tpu.vector_load %arg6[%swap3A, %swap3A_791] {strides = array<i32>} : memref<32x128xi32, #tpu.memory_space<vmem>>, vector<1x16xi32>,
      %swap3A_793 = vector.shape_cast %swap3A_792 : vector<1x16xi32> to vector<16xi32>
      %swap3A_794 = vector.shape_cast %add3A_786 : vector<16xi32> to vector<1x16xi32>
      tpu.vector_store %arg6[%swap3A, %swap3A_791], %swap3A_794 {strides = array<i32>} : memref<32x128xi32, #tpu.memory_space<vmem>>, vector<1x16xi32>,
      %scan3A_795 = arith.constant 0 : i32
      scf.yield %scan3A_795 : i32
    }
    %scan3A_10 = arith.constant 256 : i32
    %dma_start3A = arith.constant 0 : i32
    %dma_start3A_11 = arith.constant 0 : i32
    %dma_start3A_12 = tpu.memref_slice %arg6[%dma_start3A, %dma_start3A_11] : memref<32x128xi32, #tpu.memory_space<vmem>> -> memref<1x128xi32, #tpu.memory_space<vmem>>
    %dma_start3A_13 = tpu.memref_squeeze %dma_start3A_12 : memref<1x128xi32, #tpu.memory_space<vmem>> -> memref<128xi32, #tpu.memory_space<vmem>>
    %dma_start3A_14 = arith.constant 0 : i32
    %dma_start3A_15 = arith.constant 0 : i32
    %dma_start3A_16 = tpu.memref_slice %arg3[%dma_start3A_14, %dma_start3A_15] : memref<520x128xf32, #tpu.memory_space<hbm>> -> memref<520x128xf32, #tpu.memory_space<hbm>>
    tpu.enqueue_indirect_dma source(%dma_start3A_16 : memref<520x128xf32, #tpu.memory_space<hbm>>) target(%arg7 : memref<128x128xf32, #tpu.memory_space<vmem>>) offsets(%dma_start3A_13 : memref<128xi32, #tpu.memory_space<vmem>>) semaphore(%arg13 : memref<!tpu.dma_semaphore, #tpu.memory_space<semaphore_mem>>)
    %dma_start3A_17 = arith.constant 1 : i32
    %dma_start3A_18 = arith.constant 0 : i32
    %dma_start3A_19 = tpu.memref_slice %arg6[%dma_start3A_17, %dma_start3A_18] : memref<32x128xi32, #tpu.memory_space<vmem>> -> memref<1x128xi32, #tpu.memory_space<vmem>>
    %dma_start3A_20 = tpu.memref_squeeze %dma_start3A_19 : memref<1x128xi32, #tpu.memory_space<vmem>> -> memref<128xi32, #tpu.memory_space<vmem>>
    %dma_start3A_21 = arith.constant 0 : i32
    %dma_start3A_22 = arith.constant 0 : i32
    %dma_start3A_23 = tpu.memref_slice %arg3[%dma_start3A_21, %dma_start3A_22] : memref<520x128xf32, #tpu.memory_space<hbm>> -> memref<520x128xf32, #tpu.memory_space<hbm>>
    tpu.enqueue_indirect_dma source(%dma_start3A_23 : memref<520x128xf32, #tpu.memory_space<hbm>>) target(%arg8 : memref<128x128xf32, #tpu.memory_space<vmem>>) offsets(%dma_start3A_20 : memref<128xi32, #tpu.memory_space<vmem>>) semaphore(%arg14 : memref<!tpu.dma_semaphore, #tpu.memory_space<semaphore_mem>>)
    %dma_start3A_24 = arith.constant 2 : i32
    %dma_start3A_25 = arith.constant 0 : i32
    %dma_start3A_26 = tpu.memref_slice %arg6[%dma_start3A_24, %dma_start3A_25] : memref<32x128xi32, #tpu.memory_space<vmem>> -> memref<1x128xi32, #tpu.memory_space<vmem>>
    %dma_start3A_27 = tpu.memref_squeeze %dma_start3A_26 : memref<1x128xi32, #tpu.memory_space<vmem>> -> memref<128xi32, #tpu.memory_space<vmem>>
    %dma_start3A_28 = arith.constant 0 : i32
    %dma_start3A_29 = arith.constant 0 : i32
    %dma_start3A_30 = tpu.memref_slice %arg3[%dma_start3A_28, %dma_start3A_29] : memref<520x128xf32, #tpu.memory_space<hbm>> -> memref<520x128xf32, #tpu.memory_space<hbm>>
    tpu.enqueue_indirect_dma source(%dma_start3A_30 : memref<520x128xf32, #tpu.memory_space<hbm>>) target(%arg9 : memref<128x128xf32, #tpu.memory_space<vmem>>) offsets(%dma_start3A_27 : memref<128xi32, #tpu.memory_space<vmem>>) semaphore(%arg15 : memref<!tpu.dma_semaphore, #tpu.memory_space<semaphore_mem>>)
    %dma_start3A_31 = arith.constant 3 : i32
    %dma_start3A_32 = arith.constant 0 : i32
    %dma_start3A_33 = tpu.memref_slice %arg6[%dma_start3A_31, %dma_start3A_32] : memref<32x128xi32, #tpu.memory_space<vmem>> -> memref<1x128xi32, #tpu.memory_space<vmem>>
    %dma_start3A_34 = tpu.memref_squeeze %dma_start3A_33 : memref<1x128xi32, #tpu.memory_space<vmem>> -> memref<128xi32, #tpu.memory_space<vmem>>
    %dma_start3A_35 = arith.constant 0 : i32
    %dma_start3A_36 = arith.constant 0 : i32
    %dma_start3A_37 = tpu.memref_slice %arg3[%dma_start3A_35, %dma_start3A_36] : memref<520x128xf32, #tpu.memory_space<hbm>> -> memref<520x128xf32, #tpu.memory_space<hbm>>
    tpu.enqueue_indirect_dma source(%dma_start3A_37 : memref<520x128xf32, #tpu.memory_space<hbm>>) target(%arg10 : memref<128x128xf32, #tpu.memory_space<vmem>>) offsets(%dma_start3A_34 : memref<128xi32, #tpu.memory_space<vmem>>) semaphore(%arg16 : memref<!tpu.dma_semaphore, #tpu.memory_space<semaphore_mem>>)
    %dma_start3A_38 = arith.constant 4 : i32
    %dma_start3A_39 = arith.constant 0 : i32
    %dma_start3A_40 = tpu.memref_slice %arg6[%dma_start3A_38, %dma_start3A_39] : memref<32x128xi32, #tpu.memory_space<vmem>> -> memref<1x128xi32, #tpu.memory_space<vmem>>
    %dma_start3A_41 = tpu.memref_squeeze %dma_start3A_40 : memref<1x128xi32, #tpu.memory_space<vmem>> -> memref<128xi32, #tpu.memory_space<vmem>>
    %dma_start3A_42 = arith.constant 0 : i32
    %dma_start3A_43 = arith.constant 0 : i32
    %dma_start3A_44 = tpu.memref_slice %arg3[%dma_start3A_42, %dma_start3A_43] : memref<520x128xf32, #tpu.memory_space<hbm>> -> memref<520x128xf32, #tpu.memory_space<hbm>>
    tpu.enqueue_indirect_dma source(%dma_start3A_44 : memref<520x128xf32, #tpu.memory_space<hbm>>) target(%arg11 : memref<128x128xf32, #tpu.memory_space<vmem>>) offsets(%dma_start3A_41 : memref<128xi32, #tpu.memory_space<vmem>>) semaphore(%arg17 : memref<!tpu.dma_semaphore, #tpu.memory_space<semaphore_mem>>)
    %dma_start3A_45 = arith.constant 5 : i32
    %dma_start3A_46 = arith.constant 0 : i32
    %dma_start3A_47 = tpu.memref_slice %arg6[%dma_start3A_45, %dma_start3A_46] : memref<32x128xi32, #tpu.memory_space<vmem>> -> memref<1x128xi32, #tpu.memory_space<vmem>>
    %dma_start3A_48 = tpu.memref_squeeze %dma_start3A_47 : memref<1x128xi32, #tpu.memory_space<vmem>> -> memref<128xi32, #tpu.memory_space<vmem>>
    %dma_start3A_49 = arith.constant 0 : i32
    %dma_start3A_50 = arith.constant 0 : i32
    %dma_start3A_51 = tpu.memref_slice %arg3[%dma_start3A_49, %dma_start3A_50] : memref<520x128xf32, #tpu.memory_space<hbm>> -> memref<520x128xf32, #tpu.memory_space<hbm>>
    tpu.enqueue_indirect_dma source(%dma_start3A_51 : memref<520x128xf32, #tpu.memory_space<hbm>>) target(%arg12 : memref<128x128xf32, #tpu.memory_space<vmem>>) offsets(%dma_start3A_48 : memref<128xi32, #tpu.memory_space<vmem>>) semaphore(%arg18 : memref<!tpu.dma_semaphore, #tpu.memory_space<semaphore_mem>>)
    %dma_wait3A = arith.constant 0 : i32
    %dma_wait3A_52 = arith.constant 0 : i32
    %dma_wait3A_53 = tpu.memref_slice %arg6[%dma_wait3A, %dma_wait3A_52] : memref<32x128xi32, #tpu.memory_space<vmem>> -> memref<1x128xi32, #tpu.memory_space<vmem>>
    %dma_wait3A_54 = tpu.memref_squeeze %dma_wait3A_53 : memref<1x128xi32, #tpu.memory_space<vmem>> -> memref<128xi32, #tpu.memory_space<vmem>>
    %dma_wait3A_55 = arith.constant 0 : i32
    %dma_wait3A_56 = arith.constant 0 : i32
    %dma_wait3A_57 = tpu.memref_slice %arg3[%dma_wait3A_55, %dma_wait3A_56] : memref<520x128xf32, #tpu.memory_space<hbm>> -> memref<520x128xf32, #tpu.memory_space<hbm>>
    tpu.wait_indirect_dma semaphore(%arg13 : memref<!tpu.dma_semaphore, #tpu.memory_space<semaphore_mem>>) src(%dma_wait3A_57 : memref<520x128xf32, #tpu.memory_space<hbm>>) dst(%arg7 : memref<128x128xf32, #tpu.memory_space<vmem>>)
    %add3A_58 = arith.constant 0 : i32
    %add3A_59 = arith.addi %mul3A_2, %add3A_58 : i32
    %dma_start3A_60 = arith.constant 0 : i32
    %dma_start3A_61 = tpu.memref_slice %arg4[%add3A_59, %dma_start3A_60] : memref<131072x128xf32, #tpu.memory_space<hbm>> -> memref<128x128xf32, #tpu.memory_space<hbm>>
    %dma_start3A_62 = arith.constant 0 : i32
    %dma_start3A_63 = tpu.memref_slice %arg4[%add3A_59, %dma_start3A_62] : memref<131072x128xf32, #tpu.memory_space<hbm>> -> memref<128x128xf32, #tpu.memory_space<hbm>>
    tpu.enqueue_dma source(%arg7 : memref<128x128xf32, #tpu.memory_space<vmem>>) target(%dma_start3A_63 : memref<128x128xf32, #tpu.memory_space<hbm>>) target_semaphore(%arg19 : memref<!tpu.dma_semaphore, #tpu.memory_space<semaphore_mem>>)
    %dma_wait3A_64 = arith.constant 0 : i32
    %dma_wait3A_65 = tpu.memref_slice %arg4[%add3A_59, %dma_wait3A_64] : memref<131072x128xf32, #tpu.memory_space<hbm>> -> memref<128x128xf32, #tpu.memory_space<hbm>>
    %dma_wait3A_66 = arith.constant 0 : i32
    %dma_wait3A_67 = tpu.memref_slice %arg4[%add3A_59, %dma_wait3A_66] : memref<131072x128xf32, #tpu.memory_space<hbm>> -> memref<128x128xf32, #tpu.memory_space<hbm>>
    tpu.wait_dma2 semaphore(%arg19 : memref<!tpu.dma_semaphore, #tpu.memory_space<semaphore_mem>>) src(%arg7 : memref<128x128xf32, #tpu.memory_space<vmem>>) dst(%dma_wait3A_67 : memref<128x128xf32, #tpu.memory_space<hbm>>)
    %dma_start3A_68 = arith.constant 6 : i32
    %dma_start3A_69 = arith.constant 0 : i32
    %dma_start3A_70 = tpu.memref_slice %arg6[%dma_start3A_68, %dma_start3A_69] : memref<32x128xi32, #tpu.memory_space<vmem>> -> memref<1x128xi32, #tpu.memory_space<vmem>>
    %dma_start3A_71 = tpu.memref_squeeze %dma_start3A_70 : memref<1x128xi32, #tpu.memory_space<vmem>> -> memref<128xi32, #tpu.memory_space<vmem>>
    %dma_start3A_72 = arith.constant 0 : i32
    %dma_start3A_73 = arith.constant 0 : i32
    %dma_start3A_74 = tpu.memref_slice %arg3[%dma_start3A_72, %dma_start3A_73] : memref<520x128xf32, #tpu.memory_space<hbm>> -> memref<520x128xf32, #tpu.memory_space<hbm>>
    tpu.enqueue_indirect_dma source(%dma_start3A_74 : memref<520x128xf32, #tpu.memory_space<hbm>>) target(%arg7 : memref<128x128xf32, #tpu.memory_space<vmem>>) offsets(%dma_start3A_71 : memref<128xi32, #tpu.memory_space<vmem>>) semaphore(%arg13 : memref<!tpu.dma_semaphore, #tpu.memory_space<semaphore_mem>>)
    %dma_wait3A_75 = arith.constant 1 : i32
    %dma_wait3A_76 = arith.constant 0 : i32
    %dma_wait3A_77 = tpu.memref_slice %arg6[%dma_wait3A_75, %dma_wait3A_76] : memref<32x128xi32, #tpu.memory_space<vmem>> -> memref<1x128xi32, #tpu.memory_space<vmem>>
    %dma_wait3A_78 = tpu.memref_squeeze %dma_wait3A_77 : memref<1x128xi32, #tpu.memory_space<vmem>> -> memref<128xi32, #tpu.memory_space<vmem>>
    %dma_wait3A_79 = arith.constant 0 : i32
    %dma_wait3A_80 = arith.constant 0 : i32
    %dma_wait3A_81 = tpu.memref_slice %arg3[%dma_wait3A_79, %dma_wait3A_80] : memref<520x128xf32, #tpu.memory_space<hbm>> -> memref<520x128xf32, #tpu.memory_space<hbm>>
    tpu.wait_indirect_dma semaphore(%arg14 : memref<!tpu.dma_semaphore, #tpu.memory_space<semaphore_mem>>) src(%dma_wait3A_81 : memref<520x128xf32, #tpu.memory_space<hbm>>) dst(%arg8 : memref<128x128xf32, #tpu.memory_space<vmem>>)
    %add3A_82 = arith.constant 128 : i32
    %add3A_83 = arith.addi %mul3A_2, %add3A_82 : i32
    %dma_start3A_84 = arith.constant 0 : i32
    %dma_start3A_85 = tpu.memref_slice %arg4[%add3A_83, %dma_start3A_84] : memref<131072x128xf32, #tpu.memory_space<hbm>> -> memref<128x128xf32, #tpu.memory_space<hbm>>
    %dma_start3A_86 = arith.constant 0 : i32
    %dma_start3A_87 = tpu.memref_slice %arg4[%add3A_83, %dma_start3A_86] : memref<131072x128xf32, #tpu.memory_space<hbm>> -> memref<128x128xf32, #tpu.memory_space<hbm>>
    tpu.enqueue_dma source(%arg8 : memref<128x128xf32, #tpu.memory_space<vmem>>) target(%dma_start3A_87 : memref<128x128xf32, #tpu.memory_space<hbm>>) target_semaphore(%arg20 : memref<!tpu.dma_semaphore, #tpu.memory_space<semaphore_mem>>)
    %dma_wait3A_88 = arith.constant 0 : i32
    %dma_wait3A_89 = tpu.memref_slice %arg4[%add3A_83, %dma_wait3A_88] : memref<131072x128xf32, #tpu.memory_space<hbm>> -> memref<128x128xf32, #tpu.memory_space<hbm>>
    %dma_wait3A_90 = arith.constant 0 : i32
    %dma_wait3A_91 = tpu.memref_slice %arg4[%add3A_83, %dma_wait3A_90] : memref<131072x128xf32, #tpu.memory_space<hbm>> -> memref<128x128xf32, #tpu.memory_space<hbm>>
    tpu.wait_dma2 semaphore(%arg20 : memref<!tpu.dma_semaphore, #tpu.memory_space<semaphore_mem>>) src(%arg8 : memref<128x128xf32, #tpu.memory_space<vmem>>) dst(%dma_wait3A_91 : memref<128x128xf32, #tpu.memory_space<hbm>>)
    %dma_start3A_92 = arith.constant 7 : i32
    %dma_start3A_93 = arith.constant 0 : i32
    %dma_start3A_94 = tpu.memref_slice %arg6[%dma_start3A_92, %dma_start3A_93] : memref<32x128xi32, #tpu.memory_space<vmem>> -> memref<1x128xi32, #tpu.memory_space<vmem>>
    %dma_start3A_95 = tpu.memref_squeeze %dma_start3A_94 : memref<1x128xi32, #tpu.memory_space<vmem>> -> memref<128xi32, #tpu.memory_space<vmem>>
    %dma_start3A_96 = arith.constant 0 : i32
    %dma_start3A_97 = arith.constant 0 : i32
    %dma_start3A_98 = tpu.memref_slice %arg3[%dma_start3A_96, %dma_start3A_97] : memref<520x128xf32, #tpu.memory_space<hbm>> -> memref<520x128xf32, #tpu.memory_space<hbm>>
    tpu.enqueue_indirect_dma source(%dma_start3A_98 : memref<520x128xf32, #tpu.memory_space<hbm>>) target(%arg8 : memref<128x128xf32, #tpu.memory_space<vmem>>) offsets(%dma_start3A_95 : memref<128xi32, #tpu.memory_space<vmem>>) semaphore(%arg14 : memref<!tpu.dma_semaphore, #tpu.memory_space<semaphore_mem>>)
    %dma_wait3A_99 = arith.constant 2 : i32
    %dma_wait3A_100 = arith.constant 0 : i32
    %dma_wait3A_101 = tpu.memref_slice %arg6[%dma_wait3A_99, %dma_wait3A_100] : memref<32x128xi32, #tpu.memory_space<vmem>> -> memref<1x128xi32, #tpu.memory_space<vmem>>
    %dma_wait3A_102 = tpu.memref_squeeze %dma_wait3A_101 : memref<1x128xi32, #tpu.memory_space<vmem>> -> memref<128xi32, #tpu.memory_space<vmem>>
    %dma_wait3A_103 = arith.constant 0 : i32
    %dma_wait3A_104 = arith.constant 0 : i32
    %dma_wait3A_105 = tpu.memref_slice %arg3[%dma_wait3A_103, %dma_wait3A_104] : memref<520x128xf32, #tpu.memory_space<hbm>> -> memref<520x128xf32, #tpu.memory_space<hbm>>
    tpu.wait_indirect_dma semaphore(%arg15 : memref<!tpu.dma_semaphore, #tpu.memory_space<semaphore_mem>>) src(%dma_wait3A_105 : memref<520x128xf32, #tpu.memory_space<hbm>>) dst(%arg9 : memref<128x128xf32, #tpu.memory_space<vmem>>)
    %add3A_106 = arith.constant 256 : i32
    %add3A_107 = arith.addi %mul3A_2, %add3A_106 : i32
    %dma_start3A_108 = arith.constant 0 : i32
    %dma_start3A_109 = tpu.memref_slice %arg4[%add3A_107, %dma_start3A_108] : memref<131072x128xf32, #tpu.memory_space<hbm>> -> memref<128x128xf32, #tpu.memory_space<hbm>>
    %dma_start3A_110 = arith.constant 0 : i32
    %dma_start3A_111 = tpu.memref_slice %arg4[%add3A_107, %dma_start3A_110] : memref<131072x128xf32, #tpu.memory_space<hbm>> -> memref<128x128xf32, #tpu.memory_space<hbm>>
    tpu.enqueue_dma source(%arg9 : memref<128x128xf32, #tpu.memory_space<vmem>>) target(%dma_start3A_111 : memref<128x128xf32, #tpu.memory_space<hbm>>) target_semaphore(%arg21 : memref<!tpu.dma_semaphore, #tpu.memory_space<semaphore_mem>>)
    %dma_wait3A_112 = arith.constant 0 : i32
    %dma_wait3A_113 = tpu.memref_slice %arg4[%add3A_107, %dma_wait3A_112] : memref<131072x128xf32, #tpu.memory_space<hbm>> -> memref<128x128xf32, #tpu.memory_space<hbm>>
    %dma_wait3A_114 = arith.constant 0 : i32
    %dma_wait3A_115 = tpu.memref_slice %arg4[%add3A_107, %dma_wait3A_114] : memref<131072x128xf32, #tpu.memory_space<hbm>> -> memref<128x128xf32, #tpu.memory_space<hbm>>
    tpu.wait_dma2 semaphore(%arg21 : memref<!tpu.dma_semaphore, #tpu.memory_space<semaphore_mem>>) src(%arg9 : memref<128x128xf32, #tpu.memory_space<vmem>>) dst(%dma_wait3A_115 : memref<128x128xf32, #tpu.memory_space<hbm>>)
    %dma_start3A_116 = arith.constant 8 : i32
    %dma_start3A_117 = arith.constant 0 : i32
    %dma_start3A_118 = tpu.memref_slice %arg6[%dma_start3A_116, %dma_start3A_117] : memref<32x128xi32, #tpu.memory_space<vmem>> -> memref<1x128xi32, #tpu.memory_space<vmem>>
    %dma_start3A_119 = tpu.memref_squeeze %dma_start3A_118 : memref<1x128xi32, #tpu.memory_space<vmem>> -> memref<128xi32, #tpu.memory_space<vmem>>
    %dma_start3A_120 = arith.constant 0 : i32
    %dma_start3A_121 = arith.constant 0 : i32
    %dma_start3A_122 = tpu.memref_slice %arg3[%dma_start3A_120, %dma_start3A_121] : memref<520x128xf32, #tpu.memory_space<hbm>> -> memref<520x128xf32, #tpu.memory_space<hbm>>
    tpu.enqueue_indirect_dma source(%dma_start3A_122 : memref<520x128xf32, #tpu.memory_space<hbm>>) target(%arg9 : memref<128x128xf32, #tpu.memory_space<vmem>>) offsets(%dma_start3A_119 : memref<128xi32, #tpu.memory_space<vmem>>) semaphore(%arg15 : memref<!tpu.dma_semaphore, #tpu.memory_space<semaphore_mem>>)
    %dma_wait3A_123 = arith.constant 3 : i32
    %dma_wait3A_124 = arith.constant 0 : i32
    %dma_wait3A_125 = tpu.memref_slice %arg6[%dma_wait3A_123, %dma_wait3A_124] : memref<32x128xi32, #tpu.memory_space<vmem>> -> memref<1x128xi32, #tpu.memory_space<vmem>>
    %dma_wait3A_126 = tpu.memref_squeeze %dma_wait3A_125 : memref<1x128xi32, #tpu.memory_space<vmem>> -> memref<128xi32, #tpu.memory_space<vmem>>
    %dma_wait3A_127 = arith.constant 0 : i32
    %dma_wait3A_128 = arith.constant 0 : i32
    %dma_wait3A_129 = tpu.memref_slice %arg3[%dma_wait3A_127, %dma_wait3A_128] : memref<520x128xf32, #tpu.memory_space<hbm>> -> memref<520x128xf32, #tpu.memory_space<hbm>>
    tpu.wait_indirect_dma semaphore(%arg16 : memref<!tpu.dma_semaphore, #tpu.memory_space<semaphore_mem>>) src(%dma_wait3A_129 : memref<520x128xf32, #tpu.memory_space<hbm>>) dst(%arg10 : memref<128x128xf32, #tpu.memory_space<vmem>>)
    %add3A_130 = arith.constant 384 : i32
    %add3A_131 = arith.addi %mul3A_2, %add3A_130 : i32
    %dma_start3A_132 = arith.constant 0 : i32
    %dma_start3A_133 = tpu.memref_slice %arg4[%add3A_131, %dma_start3A_132] : memref<131072x128xf32, #tpu.memory_space<hbm>> -> memref<128x128xf32, #tpu.memory_space<hbm>>
    %dma_start3A_134 = arith.constant 0 : i32
    %dma_start3A_135 = tpu.memref_slice %arg4[%add3A_131, %dma_start3A_134] : memref<131072x128xf32, #tpu.memory_space<hbm>> -> memref<128x128xf32, #tpu.memory_space<hbm>>
    tpu.enqueue_dma source(%arg10 : memref<128x128xf32, #tpu.memory_space<vmem>>) target(%dma_start3A_135 : memref<128x128xf32, #tpu.memory_space<hbm>>) target_semaphore(%arg22 : memref<!tpu.dma_semaphore, #tpu.memory_space<semaphore_mem>>)
    %dma_wait3A_136 = arith.constant 0 : i32
    %dma_wait3A_137 = tpu.memref_slice %arg4[%add3A_131, %dma_wait3A_136] : memref<131072x128xf32, #tpu.memory_space<hbm>> -> memref<128x128xf32, #tpu.memory_space<hbm>>
    %dma_wait3A_138 = arith.constant 0 : i32
    %dma_wait3A_139 = tpu.memref_slice %arg4[%add3A_131, %dma_wait3A_138] : memref<131072x128xf32, #tpu.memory_space<hbm>> -> memref<128x128xf32, #tpu.memory_space<hbm>>
    tpu.wait_dma2 semaphore(%arg22 : memref<!tpu.dma_semaphore, #tpu.memory_space<semaphore_mem>>) src(%arg10 : memref<128x128xf32, #tpu.memory_space<vmem>>) dst(%dma_wait3A_139 : memref<128x128xf32, #tpu.memory_space<hbm>>)
    %dma_start3A_140 = arith.constant 9 : i32
    %dma_start3A_141 = arith.constant 0 : i32
    %dma_start3A_142 = tpu.memref_slice %arg6[%dma_start3A_140, %dma_start3A_141] : memref<32x128xi32, #tpu.memory_space<vmem>> -> memref<1x128xi32, #tpu.memory_space<vmem>>
    %dma_start3A_143 = tpu.memref_squeeze %dma_start3A_142 : memref<1x128xi32, #tpu.memory_space<vmem>> -> memref<128xi32, #tpu.memory_space<vmem>>
    %dma_start3A_144 = arith.constant 0 : i32
    %dma_start3A_145 = arith.constant 0 : i32
    %dma_start3A_146 = tpu.memref_slice %arg3[%dma_start3A_144, %dma_start3A_145] : memref<520x128xf32, #tpu.memory_space<hbm>> -> memref<520x128xf32, #tpu.memory_space<hbm>>
    tpu.enqueue_indirect_dma source(%dma_start3A_146 : memref<520x128xf32, #tpu.memory_space<hbm>>) target(%arg10 : memref<128x128xf32, #tpu.memory_space<vmem>>) offsets(%dma_start3A_143 : memref<128xi32, #tpu.memory_space<vmem>>) semaphore(%arg16 : memref<!tpu.dma_semaphore, #tpu.memory_space<semaphore_mem>>)
    %dma_wait3A_147 = arith.constant 4 : i32
    %dma_wait3A_148 = arith.constant 0 : i32
    %dma_wait3A_149 = tpu.memref_slice %arg6[%dma_wait3A_147, %dma_wait3A_148] : memref<32x128xi32, #tpu.memory_space<vmem>> -> memref<1x128xi32, #tpu.memory_space<vmem>>
    %dma_wait3A_150 = tpu.memref_squeeze %dma_wait3A_149 : memref<1x128xi32, #tpu.memory_space<vmem>> -> memref<128xi32, #tpu.memory_space<vmem>>
    %dma_wait3A_151 = arith.constant 0 : i32
    %dma_wait3A_152 = arith.constant 0 : i32
    %dma_wait3A_153 = tpu.memref_slice %arg3[%dma_wait3A_151, %dma_wait3A_152] : memref<520x128xf32, #tpu.memory_space<hbm>> -> memref<520x128xf32, #tpu.memory_space<hbm>>
    tpu.wait_indirect_dma semaphore(%arg17 : memref<!tpu.dma_semaphore, #tpu.memory_space<semaphore_mem>>) src(%dma_wait3A_153 : memref<520x128xf32, #tpu.memory_space<hbm>>) dst(%arg11 : memref<128x128xf32, #tpu.memory_space<vmem>>)
    %add3A_154 = arith.constant 512 : i32
    %add3A_155 = arith.addi %mul3A_2, %add3A_154 : i32
    %dma_start3A_156 = arith.constant 0 : i32
    %dma_start3A_157 = tpu.memref_slice %arg4[%add3A_155, %dma_start3A_156] : memref<131072x128xf32, #tpu.memory_space<hbm>> -> memref<128x128xf32, #tpu.memory_space<hbm>>
    %dma_start3A_158 = arith.constant 0 : i32
    %dma_start3A_159 = tpu.memref_slice %arg4[%add3A_155, %dma_start3A_158] : memref<131072x128xf32, #tpu.memory_space<hbm>> -> memref<128x128xf32, #tpu.memory_space<hbm>>
    tpu.enqueue_dma source(%arg11 : memref<128x128xf32, #tpu.memory_space<vmem>>) target(%dma_start3A_159 : memref<128x128xf32, #tpu.memory_space<hbm>>) target_semaphore(%arg23 : memref<!tpu.dma_semaphore, #tpu.memory_space<semaphore_mem>>)
    %dma_wait3A_160 = arith.constant 0 : i32
    %dma_wait3A_161 = tpu.memref_slice %arg4[%add3A_155, %dma_wait3A_160] : memref<131072x128xf32, #tpu.memory_space<hbm>> -> memref<128x128xf32, #tpu.memory_space<hbm>>
    %dma_wait3A_162 = arith.constant 0 : i32
    %dma_wait3A_163 = tpu.memref_slice %arg4[%add3A_155, %dma_wait3A_162] : memref<131072x128xf32, #tpu.memory_space<hbm>> -> memref<128x128xf32, #tpu.memory_space<hbm>>
    tpu.wait_dma2 semaphore(%arg23 : memref<!tpu.dma_semaphore, #tpu.memory_space<semaphore_mem>>) src(%arg11 : memref<128x128xf32, #tpu.memory_space<vmem>>) dst(%dma_wait3A_163 : memref<128x128xf32, #tpu.memory_space<hbm>>)
    %dma_start3A_164 = arith.constant 10 : i32
    %dma_start3A_165 = arith.constant 0 : i32
    %dma_start3A_166 = tpu.memref_slice %arg6[%dma_start3A_164, %dma_start3A_165] : memref<32x128xi32, #tpu.memory_space<vmem>> -> memref<1x128xi32, #tpu.memory_space<vmem>>
    %dma_start3A_167 = tpu.memref_squeeze %dma_start3A_166 : memref<1x128xi32, #tpu.memory_space<vmem>> -> memref<128xi32, #tpu.memory_space<vmem>>
    %dma_start3A_168 = arith.constant 0 : i32
    %dma_start3A_169 = arith.constant 0 : i32
    %dma_start3A_170 = tpu.memref_slice %arg3[%dma_start3A_168, %dma_start3A_169] : memref<520x128xf32, #tpu.memory_space<hbm>> -> memref<520x128xf32, #tpu.memory_space<hbm>>
    tpu.enqueue_indirect_dma source(%dma_start3A_170 : memref<520x128xf32, #tpu.memory_space<hbm>>) target(%arg11 : memref<128x128xf32, #tpu.memory_space<vmem>>) offsets(%dma_start3A_167 : memref<128xi32, #tpu.memory_space<vmem>>) semaphore(%arg17 : memref<!tpu.dma_semaphore, #tpu.memory_space<semaphore_mem>>)
    %dma_wait3A_171 = arith.constant 5 : i32
    %dma_wait3A_172 = arith.constant 0 : i32
    %dma_wait3A_173 = tpu.memref_slice %arg6[%dma_wait3A_171, %dma_wait3A_172] : memref<32x128xi32, #tpu.memory_space<vmem>> -> memref<1x128xi32, #tpu.memory_space<vmem>>
    %dma_wait3A_174 = tpu.memref_squeeze %dma_wait3A_173 : memref<1x128xi32, #tpu.memory_space<vmem>> -> memref<128xi32, #tpu.memory_space<vmem>>
    %dma_wait3A_175 = arith.constant 0 : i32
    %dma_wait3A_176 = arith.constant 0 : i32
    %dma_wait3A_177 = tpu.memref_slice %arg3[%dma_wait3A_175, %dma_wait3A_176] : memref<520x128xf32, #tpu.memory_space<hbm>> -> memref<520x128xf32, #tpu.memory_space<hbm>>
    tpu.wait_indirect_dma semaphore(%arg18 : memref<!tpu.dma_semaphore, #tpu.memory_space<semaphore_mem>>) src(%dma_wait3A_177 : memref<520x128xf32, #tpu.memory_space<hbm>>) dst(%arg12 : memref<128x128xf32, #tpu.memory_space<vmem>>)
    %add3A_178 = arith.constant 640 : i32
    %add3A_179 = arith.addi %mul3A_2, %add3A_178 : i32
    %dma_start3A_180 = arith.constant 0 : i32
    %dma_start3A_181 = tpu.memref_slice %arg4[%add3A_179, %dma_start3A_180] : memref<131072x128xf32, #tpu.memory_space<hbm>> -> memref<128x128xf32, #tpu.memory_space<hbm>>
    %dma_start3A_182 = arith.constant 0 : i32
    %dma_start3A_183 = tpu.memref_slice %arg4[%add3A_179, %dma_start3A_182] : memref<131072x128xf32, #tpu.memory_space<hbm>> -> memref<128x128xf32, #tpu.memory_space<hbm>>
    tpu.enqueue_dma source(%arg12 : memref<128x128xf32, #tpu.memory_space<vmem>>) target(%dma_start3A_183 : memref<128x128xf32, #tpu.memory_space<hbm>>) target_semaphore(%arg24 : memref<!tpu.dma_semaphore, #tpu.memory_space<semaphore_mem>>)
    %dma_wait3A_184 = arith.constant 0 : i32
    %dma_wait3A_185 = tpu.memref_slice %arg4[%add3A_179, %dma_wait3A_184] : memref<131072x128xf32, #tpu.memory_space<hbm>> -> memref<128x128xf32, #tpu.memory_space<hbm>>
    %dma_wait3A_186 = arith.constant 0 : i32
    %dma_wait3A_187 = tpu.memref_slice %arg4[%add3A_179, %dma_wait3A_186] : memref<131072x128xf32, #tpu.memory_space<hbm>> -> memref<128x128xf32, #tpu.memory_space<hbm>>
    tpu.wait_dma2 semaphore(%arg24 : memref<!tpu.dma_semaphore, #tpu.memory_space<semaphore_mem>>) src(%arg12 : memref<128x128xf32, #tpu.memory_space<vmem>>) dst(%dma_wait3A_187 : memref<128x128xf32, #tpu.memory_space<hbm>>)
    %dma_start3A_188 = arith.constant 11 : i32
    %dma_start3A_189 = arith.constant 0 : i32
    %dma_start3A_190 = tpu.memref_slice %arg6[%dma_start3A_188, %dma_start3A_189] : memref<32x128xi32, #tpu.memory_space<vmem>> -> memref<1x128xi32, #tpu.memory_space<vmem>>
    %dma_start3A_191 = tpu.memref_squeeze %dma_start3A_190 : memref<1x128xi32, #tpu.memory_space<vmem>> -> memref<128xi32, #tpu.memory_space<vmem>>
    %dma_start3A_192 = arith.constant 0 : i32
    %dma_start3A_193 = arith.constant 0 : i32
    %dma_start3A_194 = tpu.memref_slice %arg3[%dma_start3A_192, %dma_start3A_193] : memref<520x128xf32, #tpu.memory_space<hbm>> -> memref<520x128xf32, #tpu.memory_space<hbm>>
    tpu.enqueue_indirect_dma source(%dma_start3A_194 : memref<520x128xf32, #tpu.memory_space<hbm>>) target(%arg12 : memref<128x128xf32, #tpu.memory_space<vmem>>) offsets(%dma_start3A_191 : memref<128xi32, #tpu.memory_space<vmem>>) semaphore(%arg18 : memref<!tpu.dma_semaphore, #tpu.memory_space<semaphore_mem>>)
    %dma_wait3A_195 = arith.constant 6 : i32
    %dma_wait3A_196 = arith.constant 0 : i32
    %dma_wait3A_197 = tpu.memref_slice %arg6[%dma_wait3A_195, %dma_wait3A_196] : memref<32x128xi32, #tpu.memory_space<vmem>> -> memref<1x128xi32, #tpu.memory_space<vmem>>
    %dma_wait3A_198 = tpu.memref_squeeze %dma_wait3A_197 : memref<1x128xi32, #tpu.memory_space<vmem>> -> memref<128xi32, #tpu.memory_space<vmem>>
    %dma_wait3A_199 = arith.constant 0 : i32
    %dma_wait3A_200 = arith.constant 0 : i32
    %dma_wait3A_201 = tpu.memref_slice %arg3[%dma_wait3A_199, %dma_wait3A_200] : memref<520x128xf32, #tpu.memory_space<hbm>> -> memref<520x128xf32, #tpu.memory_space<hbm>>
    tpu.wait_indirect_dma semaphore(%arg13 : memref<!tpu.dma_semaphore, #tpu.memory_space<semaphore_mem>>) src(%dma_wait3A_201 : memref<520x128xf32, #tpu.memory_space<hbm>>) dst(%arg7 : memref<128x128xf32, #tpu.memory_space<vmem>>)
    %add3A_202 = arith.constant 768 : i32
    %add3A_203 = arith.addi %mul3A_2, %add3A_202 : i32
    %dma_start3A_204 = arith.constant 0 : i32
    %dma_start3A_205 = tpu.memref_slice %arg4[%add3A_203, %dma_start3A_204] : memref<131072x128xf32, #tpu.memory_space<hbm>> -> memref<128x128xf32, #tpu.memory_space<hbm>>
    %dma_start3A_206 = arith.constant 0 : i32
    %dma_start3A_207 = tpu.memref_slice %arg4[%add3A_203, %dma_start3A_206] : memref<131072x128xf32, #tpu.memory_space<hbm>> -> memref<128x128xf32, #tpu.memory_space<hbm>>
    tpu.enqueue_dma source(%arg7 : memref<128x128xf32, #tpu.memory_space<vmem>>) target(%dma_start3A_207 : memref<128x128xf32, #tpu.memory_space<hbm>>) target_semaphore(%arg19 : memref<!tpu.dma_semaphore, #tpu.memory_space<semaphore_mem>>)
    %dma_wait3A_208 = arith.constant 0 : i32
    %dma_wait3A_209 = tpu.memref_slice %arg4[%add3A_203, %dma_wait3A_208] : memref<131072x128xf32, #tpu.memory_space<hbm>> -> memref<128x128xf32, #tpu.memory_space<hbm>>
    %dma_wait3A_210 = arith.constant 0 : i32
    %dma_wait3A_211 = tpu.memref_slice %arg4[%add3A_203, %dma_wait3A_210] : memref<131072x128xf32, #tpu.memory_space<hbm>> -> memref<128x128xf32, #tpu.memory_space<hbm>>
    tpu.wait_dma2 semaphore(%arg19 : memref<!tpu.dma_semaphore, #tpu.memory_space<semaphore_mem>>) src(%arg7 : memref<128x128xf32, #tpu.memory_space<vmem>>) dst(%dma_wait3A_211 : memref<128x128xf32, #tpu.memory_space<hbm>>)
    %dma_start3A_212 = arith.constant 12 : i32
    %dma_start3A_213 = arith.constant 0 : i32
    %dma_start3A_214 = tpu.memref_slice %arg6[%dma_start3A_212, %dma_start3A_213] : memref<32x128xi32, #tpu.memory_space<vmem>> -> memref<1x128xi32, #tpu.memory_space<vmem>>
    %dma_start3A_215 = tpu.memref_squeeze %dma_start3A_214 : memref<1x128xi32, #tpu.memory_space<vmem>> -> memref<128xi32, #tpu.memory_space<vmem>>
    %dma_start3A_216 = arith.constant 0 : i32
    %dma_start3A_217 = arith.constant 0 : i32
    %dma_start3A_218 = tpu.memref_slice %arg3[%dma_start3A_216, %dma_start3A_217] : memref<520x128xf32, #tpu.memory_space<hbm>> -> memref<520x128xf32, #tpu.memory_space<hbm>>
    tpu.enqueue_indirect_dma source(%dma_start3A_218 : memref<520x128xf32, #tpu.memory_space<hbm>>) target(%arg7 : memref<128x128xf32, #tpu.memory_space<vmem>>) offsets(%dma_start3A_215 : memref<128xi32, #tpu.memory_space<vmem>>) semaphore(%arg13 : memref<!tpu.dma_semaphore, #tpu.memory_space<semaphore_mem>>)
    %dma_wait3A_219 = arith.constant 7 : i32
    %dma_wait3A_220 = arith.constant 0 : i32
    %dma_wait3A_221 = tpu.memref_slice %arg6[%dma_wait3A_219, %dma_wait3A_220] : memref<32x128xi32, #tpu.memory_space<vmem>> -> memref<1x128xi32, #tpu.memory_space<vmem>>
    %dma_wait3A_222 = tpu.memref_squeeze %dma_wait3A_221 : memref<1x128xi32, #tpu.memory_space<vmem>> -> memref<128xi32, #tpu.memory_space<vmem>>
    %dma_wait3A_223 = arith.constant 0 : i32
    %dma_wait3A_224 = arith.constant 0 : i32
    %dma_wait3A_225 = tpu.memref_slice %arg3[%dma_wait3A_223, %dma_wait3A_224] : memref<520x128xf32, #tpu.memory_space<hbm>> -> memref<520x128xf32, #tpu.memory_space<hbm>>
    tpu.wait_indirect_dma semaphore(%arg14 : memref<!tpu.dma_semaphore, #tpu.memory_space<semaphore_mem>>) src(%dma_wait3A_225 : memref<520x128xf32, #tpu.memory_space<hbm>>) dst(%arg8 : memref<128x128xf32, #tpu.memory_space<vmem>>)
    %add3A_226 = arith.constant 896 : i32
    %add3A_227 = arith.addi %mul3A_2, %add3A_226 : i32
    %dma_start3A_228 = arith.constant 0 : i32
    %dma_start3A_229 = tpu.memref_slice %arg4[%add3A_227, %dma_start3A_228] : memref<131072x128xf32, #tpu.memory_space<hbm>> -> memref<128x128xf32, #tpu.memory_space<hbm>>
    %dma_start3A_230 = arith.constant 0 : i32
    %dma_start3A_231 = tpu.memref_slice %arg4[%add3A_227, %dma_start3A_230] : memref<131072x128xf32, #tpu.memory_space<hbm>> -> memref<128x128xf32, #tpu.memory_space<hbm>>
    tpu.enqueue_dma source(%arg8 : memref<128x128xf32, #tpu.memory_space<vmem>>) target(%dma_start3A_231 : memref<128x128xf32, #tpu.memory_space<hbm>>) target_semaphore(%arg20 : memref<!tpu.dma_semaphore, #tpu.memory_space<semaphore_mem>>)
    %dma_wait3A_232 = arith.constant 0 : i32
    %dma_wait3A_233 = tpu.memref_slice %arg4[%add3A_227, %dma_wait3A_232] : memref<131072x128xf32, #tpu.memory_space<hbm>> -> memref<128x128xf32, #tpu.memory_space<hbm>>
    %dma_wait3A_234 = arith.constant 0 : i32
    %dma_wait3A_235 = tpu.memref_slice %arg4[%add3A_227, %dma_wait3A_234] : memref<131072x128xf32, #tpu.memory_space<hbm>> -> memref<128x128xf32, #tpu.memory_space<hbm>>
    tpu.wait_dma2 semaphore(%arg20 : memref<!tpu.dma_semaphore, #tpu.memory_space<semaphore_mem>>) src(%arg8 : memref<128x128xf32, #tpu.memory_space<vmem>>) dst(%dma_wait3A_235 : memref<128x128xf32, #tpu.memory_space<hbm>>)
    %dma_start3A_236 = arith.constant 13 : i32
    %dma_start3A_237 = arith.constant 0 : i32
    %dma_start3A_238 = tpu.memref_slice %arg6[%dma_start3A_236, %dma_start3A_237] : memref<32x128xi32, #tpu.memory_space<vmem>> -> memref<1x128xi32, #tpu.memory_space<vmem>>
    %dma_start3A_239 = tpu.memref_squeeze %dma_start3A_238 : memref<1x128xi32, #tpu.memory_space<vmem>> -> memref<128xi32, #tpu.memory_space<vmem>>
    %dma_start3A_240 = arith.constant 0 : i32
    %dma_start3A_241 = arith.constant 0 : i32
    %dma_start3A_242 = tpu.memref_slice %arg3[%dma_start3A_240, %dma_start3A_241] : memref<520x128xf32, #tpu.memory_space<hbm>> -> memref<520x128xf32, #tpu.memory_space<hbm>>
    tpu.enqueue_indirect_dma source(%dma_start3A_242 : memref<520x128xf32, #tpu.memory_space<hbm>>) target(%arg8 : memref<128x128xf32, #tpu.memory_space<vmem>>) offsets(%dma_start3A_239 : memref<128xi32, #tpu.memory_space<vmem>>) semaphore(%arg14 : memref<!tpu.dma_semaphore, #tpu.memory_space<semaphore_mem>>)
    %dma_wait3A_243 = arith.constant 8 : i32
    %dma_wait3A_244 = arith.constant 0 : i32
    %dma_wait3A_245 = tpu.memref_slice %arg6[%dma_wait3A_243, %dma_wait3A_244] : memref<32x128xi32, #tpu.memory_space<vmem>> -> memref<1x128xi32, #tpu.memory_space<vmem>>
    %dma_wait3A_246 = tpu.memref_squeeze %dma_wait3A_245 : memref<1x128xi32, #tpu.memory_space<vmem>> -> memref<128xi32, #tpu.memory_space<vmem>>
    %dma_wait3A_247 = arith.constant 0 : i32
    %dma_wait3A_248 = arith.constant 0 : i32
    %dma_wait3A_249 = tpu.memref_slice %arg3[%dma_wait3A_247, %dma_wait3A_248] : memref<520x128xf32, #tpu.memory_space<hbm>> -> memref<520x128xf32, #tpu.memory_space<hbm>>
    tpu.wait_indirect_dma semaphore(%arg15 : memref<!tpu.dma_semaphore, #tpu.memory_space<semaphore_mem>>) src(%dma_wait3A_249 : memref<520x128xf32, #tpu.memory_space<hbm>>) dst(%arg9 : memref<128x128xf32, #tpu.memory_space<vmem>>)
    %add3A_250 = arith.constant 1024 : i32
    %add3A_251 = arith.addi %mul3A_2, %add3A_250 : i32
    %dma_start3A_252 = arith.constant 0 : i32
    %dma_start3A_253 = tpu.memref_slice %arg4[%add3A_251, %dma_start3A_252] : memref<131072x128xf32, #tpu.memory_space<hbm>> -> memref<128x128xf32, #tpu.memory_space<hbm>>
    %dma_start3A_254 = arith.constant 0 : i32
    %dma_start3A_255 = tpu.memref_slice %arg4[%add3A_251, %dma_start3A_254] : memref<131072x128xf32, #tpu.memory_space<hbm>> -> memref<128x128xf32, #tpu.memory_space<hbm>>
    tpu.enqueue_dma source(%arg9 : memref<128x128xf32, #tpu.memory_space<vmem>>) target(%dma_start3A_255 : memref<128x128xf32, #tpu.memory_space<hbm>>) target_semaphore(%arg21 : memref<!tpu.dma_semaphore, #tpu.memory_space<semaphore_mem>>)
    %dma_wait3A_256 = arith.constant 0 : i32
    %dma_wait3A_257 = tpu.memref_slice %arg4[%add3A_251, %dma_wait3A_256] : memref<131072x128xf32, #tpu.memory_space<hbm>> -> memref<128x128xf32, #tpu.memory_space<hbm>>
    %dma_wait3A_258 = arith.constant 0 : i32
    %dma_wait3A_259 = tpu.memref_slice %arg4[%add3A_251, %dma_wait3A_258] : memref<131072x128xf32, #tpu.memory_space<hbm>> -> memref<128x128xf32, #tpu.memory_space<hbm>>
    tpu.wait_dma2 semaphore(%arg21 : memref<!tpu.dma_semaphore, #tpu.memory_space<semaphore_mem>>) src(%arg9 : memref<128x128xf32, #tpu.memory_space<vmem>>) dst(%dma_wait3A_259 : memref<128x128xf32, #tpu.memory_space<hbm>>)
    %dma_start3A_260 = arith.constant 14 : i32
    %dma_start3A_261 = arith.constant 0 : i32
    %dma_start3A_262 = tpu.memref_slice %arg6[%dma_start3A_260, %dma_start3A_261] : memref<32x128xi32, #tpu.memory_space<vmem>> -> memref<1x128xi32, #tpu.memory_space<vmem>>
    %dma_start3A_263 = tpu.memref_squeeze %dma_start3A_262 : memref<1x128xi32, #tpu.memory_space<vmem>> -> memref<128xi32, #tpu.memory_space<vmem>>
    %dma_start3A_264 = arith.constant 0 : i32
    %dma_start3A_265 = arith.constant 0 : i32
    %dma_start3A_266 = tpu.memref_slice %arg3[%dma_start3A_264, %dma_start3A_265] : memref<520x128xf32, #tpu.memory_space<hbm>> -> memref<520x128xf32, #tpu.memory_space<hbm>>
    tpu.enqueue_indirect_dma source(%dma_start3A_266 : memref<520x128xf32, #tpu.memory_space<hbm>>) target(%arg9 : memref<128x128xf32, #tpu.memory_space<vmem>>) offsets(%dma_start3A_263 : memref<128xi32, #tpu.memory_space<vmem>>) semaphore(%arg15 : memref<!tpu.dma_semaphore, #tpu.memory_space<semaphore_mem>>)
    %dma_wait3A_267 = arith.constant 9 : i32
    %dma_wait3A_268 = arith.constant 0 : i32
    %dma_wait3A_269 = tpu.memref_slice %arg6[%dma_wait3A_267, %dma_wait3A_268] : memref<32x128xi32, #tpu.memory_space<vmem>> -> memref<1x128xi32, #tpu.memory_space<vmem>>
    %dma_wait3A_270 = tpu.memref_squeeze %dma_wait3A_269 : memref<1x128xi32, #tpu.memory_space<vmem>> -> memref<128xi32, #tpu.memory_space<vmem>>
    %dma_wait3A_271 = arith.constant 0 : i32
    %dma_wait3A_272 = arith.constant 0 : i32
    %dma_wait3A_273 = tpu.memref_slice %arg3[%dma_wait3A_271, %dma_wait3A_272] : memref<520x128xf32, #tpu.memory_space<hbm>> -> memref<520x128xf32, #tpu.memory_space<hbm>>
    tpu.wait_indirect_dma semaphore(%arg16 : memref<!tpu.dma_semaphore, #tpu.memory_space<semaphore_mem>>) src(%dma_wait3A_273 : memref<520x128xf32, #tpu.memory_space<hbm>>) dst(%arg10 : memref<128x128xf32, #tpu.memory_space<vmem>>)
    %add3A_274 = arith.constant 1152 : i32
    %add3A_275 = arith.addi %mul3A_2, %add3A_274 : i32
    %dma_start3A_276 = arith.constant 0 : i32
    %dma_start3A_277 = tpu.memref_slice %arg4[%add3A_275, %dma_start3A_276] : memref<131072x128xf32, #tpu.memory_space<hbm>> -> memref<128x128xf32, #tpu.memory_space<hbm>>
    %dma_start3A_278 = arith.constant 0 : i32
    %dma_start3A_279 = tpu.memref_slice %arg4[%add3A_275, %dma_start3A_278] : memref<131072x128xf32, #tpu.memory_space<hbm>> -> memref<128x128xf32, #tpu.memory_space<hbm>>
    tpu.enqueue_dma source(%arg10 : memref<128x128xf32, #tpu.memory_space<vmem>>) target(%dma_start3A_279 : memref<128x128xf32, #tpu.memory_space<hbm>>) target_semaphore(%arg22 : memref<!tpu.dma_semaphore, #tpu.memory_space<semaphore_mem>>)
    %dma_wait3A_280 = arith.constant 0 : i32
    %dma_wait3A_281 = tpu.memref_slice %arg4[%add3A_275, %dma_wait3A_280] : memref<131072x128xf32, #tpu.memory_space<hbm>> -> memref<128x128xf32, #tpu.memory_space<hbm>>
    %dma_wait3A_282 = arith.constant 0 : i32
    %dma_wait3A_283 = tpu.memref_slice %arg4[%add3A_275, %dma_wait3A_282] : memref<131072x128xf32, #tpu.memory_space<hbm>> -> memref<128x128xf32, #tpu.memory_space<hbm>>
    tpu.wait_dma2 semaphore(%arg22 : memref<!tpu.dma_semaphore, #tpu.memory_space<semaphore_mem>>) src(%arg10 : memref<128x128xf32, #tpu.memory_space<vmem>>) dst(%dma_wait3A_283 : memref<128x128xf32, #tpu.memory_space<hbm>>)
    %dma_start3A_284 = arith.constant 15 : i32
    %dma_start3A_285 = arith.constant 0 : i32
    %dma_start3A_286 = tpu.memref_slice %arg6[%dma_start3A_284, %dma_start3A_285] : memref<32x128xi32, #tpu.memory_space<vmem>> -> memref<1x128xi32, #tpu.memory_space<vmem>>
    %dma_start3A_287 = tpu.memref_squeeze %dma_start3A_286 : memref<1x128xi32, #tpu.memory_space<vmem>> -> memref<128xi32, #tpu.memory_space<vmem>>
    %dma_start3A_288 = arith.constant 0 : i32
    %dma_start3A_289 = arith.constant 0 : i32
    %dma_start3A_290 = tpu.memref_slice %arg3[%dma_start3A_288, %dma_start3A_289] : memref<520x128xf32, #tpu.memory_space<hbm>> -> memref<520x128xf32, #tpu.memory_space<hbm>>
    tpu.enqueue_indirect_dma source(%dma_start3A_290 : memref<520x128xf32, #tpu.memory_space<hbm>>) target(%arg10 : memref<128x128xf32, #tpu.memory_space<vmem>>) offsets(%dma_start3A_287 : memref<128xi32, #tpu.memory_space<vmem>>) semaphore(%arg16 : memref<!tpu.dma_semaphore, #tpu.memory_space<semaphore_mem>>)
    %dma_wait3A_291 = arith.constant 10 : i32
    %dma_wait3A_292 = arith.constant 0 : i32
    %dma_wait3A_293 = tpu.memref_slice %arg6[%dma_wait3A_291, %dma_wait3A_292] : memref<32x128xi32, #tpu.memory_space<vmem>> -> memref<1x128xi32, #tpu.memory_space<vmem>>
    %dma_wait3A_294 = tpu.memref_squeeze %dma_wait3A_293 : memref<1x128xi32, #tpu.memory_space<vmem>> -> memref<128xi32, #tpu.memory_space<vmem>>
    %dma_wait3A_295 = arith.constant 0 : i32
    %dma_wait3A_296 = arith.constant 0 : i32
    %dma_wait3A_297 = tpu.memref_slice %arg3[%dma_wait3A_295, %dma_wait3A_296] : memref<520x128xf32, #tpu.memory_space<hbm>> -> memref<520x128xf32, #tpu.memory_space<hbm>>
    tpu.wait_indirect_dma semaphore(%arg17 : memref<!tpu.dma_semaphore, #tpu.memory_space<semaphore_mem>>) src(%dma_wait3A_297 : memref<520x128xf32, #tpu.memory_space<hbm>>) dst(%arg11 : memref<128x128xf32, #tpu.memory_space<vmem>>)
    %add3A_298 = arith.constant 1280 : i32
    %add3A_299 = arith.addi %mul3A_2, %add3A_298 : i32
    %dma_start3A_300 = arith.constant 0 : i32
    %dma_start3A_301 = tpu.memref_slice %arg4[%add3A_299, %dma_start3A_300] : memref<131072x128xf32, #tpu.memory_space<hbm>> -> memref<128x128xf32, #tpu.memory_space<hbm>>
    %dma_start3A_302 = arith.constant 0 : i32
    %dma_start3A_303 = tpu.memref_slice %arg4[%add3A_299, %dma_start3A_302] : memref<131072x128xf32, #tpu.memory_space<hbm>> -> memref<128x128xf32, #tpu.memory_space<hbm>>
    tpu.enqueue_dma source(%arg11 : memref<128x128xf32, #tpu.memory_space<vmem>>) target(%dma_start3A_303 : memref<128x128xf32, #tpu.memory_space<hbm>>) target_semaphore(%arg23 : memref<!tpu.dma_semaphore, #tpu.memory_space<semaphore_mem>>)
    %dma_wait3A_304 = arith.constant 0 : i32
    %dma_wait3A_305 = tpu.memref_slice %arg4[%add3A_299, %dma_wait3A_304] : memref<131072x128xf32, #tpu.memory_space<hbm>> -> memref<128x128xf32, #tpu.memory_space<hbm>>
    %dma_wait3A_306 = arith.constant 0 : i32
    %dma_wait3A_307 = tpu.memref_slice %arg4[%add3A_299, %dma_wait3A_306] : memref<131072x128xf32, #tpu.memory_space<hbm>> -> memref<128x128xf32, #tpu.memory_space<hbm>>
    tpu.wait_dma2 semaphore(%arg23 : memref<!tpu.dma_semaphore, #tpu.memory_space<semaphore_mem>>) src(%arg11 : memref<128x128xf32, #tpu.memory_space<vmem>>) dst(%dma_wait3A_307 : memref<128x128xf32, #tpu.memory_space<hbm>>)
    %dma_start3A_308 = arith.constant 16 : i32
    %dma_start3A_309 = arith.constant 0 : i32
    %dma_start3A_310 = tpu.memref_slice %arg6[%dma_start3A_308, %dma_start3A_309] : memref<32x128xi32, #tpu.memory_space<vmem>> -> memref<1x128xi32, #tpu.memory_space<vmem>>
    %dma_start3A_311 = tpu.memref_squeeze %dma_start3A_310 : memref<1x128xi32, #tpu.memory_space<vmem>> -> memref<128xi32, #tpu.memory_space<vmem>>
    %dma_start3A_312 = arith.constant 0 : i32
    %dma_start3A_313 = arith.constant 0 : i32
    %dma_start3A_314 = tpu.memref_slice %arg3[%dma_start3A_312, %dma_start3A_313] : memref<520x128xf32, #tpu.memory_space<hbm>> -> memref<520x128xf32, #tpu.memory_space<hbm>>
    tpu.enqueue_indirect_dma source(%dma_start3A_314 : memref<520x128xf32, #tpu.memory_space<hbm>>) target(%arg11 : memref<128x128xf32, #tpu.memory_space<vmem>>) offsets(%dma_start3A_311 : memref<128xi32, #tpu.memory_space<vmem>>) semaphore(%arg17 : memref<!tpu.dma_semaphore, #tpu.memory_space<semaphore_mem>>)
    %dma_wait3A_315 = arith.constant 11 : i32
    %dma_wait3A_316 = arith.constant 0 : i32
    %dma_wait3A_317 = tpu.memref_slice %arg6[%dma_wait3A_315, %dma_wait3A_316] : memref<32x128xi32, #tpu.memory_space<vmem>> -> memref<1x128xi32, #tpu.memory_space<vmem>>
    %dma_wait3A_318 = tpu.memref_squeeze %dma_wait3A_317 : memref<1x128xi32, #tpu.memory_space<vmem>> -> memref<128xi32, #tpu.memory_space<vmem>>
    %dma_wait3A_319 = arith.constant 0 : i32
    %dma_wait3A_320 = arith.constant 0 : i32
    %dma_wait3A_321 = tpu.memref_slice %arg3[%dma_wait3A_319, %dma_wait3A_320] : memref<520x128xf32, #tpu.memory_space<hbm>> -> memref<520x128xf32, #tpu.memory_space<hbm>>
    tpu.wait_indirect_dma semaphore(%arg18 : memref<!tpu.dma_semaphore, #tpu.memory_space<semaphore_mem>>) src(%dma_wait3A_321 : memref<520x128xf32, #tpu.memory_space<hbm>>) dst(%arg12 : memref<128x128xf32, #tpu.memory_space<vmem>>)
    %add3A_322 = arith.constant 1408 : i32
    %add3A_323 = arith.addi %mul3A_2, %add3A_322 : i32
    %dma_start3A_324 = arith.constant 0 : i32
    %dma_start3A_325 = tpu.memref_slice %arg4[%add3A_323, %dma_start3A_324] : memref<131072x128xf32, #tpu.memory_space<hbm>> -> memref<128x128xf32, #tpu.memory_space<hbm>>
    %dma_start3A_326 = arith.constant 0 : i32
    %dma_start3A_327 = tpu.memref_slice %arg4[%add3A_323, %dma_start3A_326] : memref<131072x128xf32, #tpu.memory_space<hbm>> -> memref<128x128xf32, #tpu.memory_space<hbm>>
    tpu.enqueue_dma source(%arg12 : memref<128x128xf32, #tpu.memory_space<vmem>>) target(%dma_start3A_327 : memref<128x128xf32, #tpu.memory_space<hbm>>) target_semaphore(%arg24 : memref<!tpu.dma_semaphore, #tpu.memory_space<semaphore_mem>>)
    %dma_wait3A_328 = arith.constant 0 : i32
    %dma_wait3A_329 = tpu.memref_slice %arg4[%add3A_323, %dma_wait3A_328] : memref<131072x128xf32, #tpu.memory_space<hbm>> -> memref<128x128xf32, #tpu.memory_space<hbm>>
    %dma_wait3A_330 = arith.constant 0 : i32
    %dma_wait3A_331 = tpu.memref_slice %arg4[%add3A_323, %dma_wait3A_330] : memref<131072x128xf32, #tpu.memory_space<hbm>> -> memref<128x128xf32, #tpu.memory_space<hbm>>
    tpu.wait_dma2 semaphore(%arg24 : memref<!tpu.dma_semaphore, #tpu.memory_space<semaphore_mem>>) src(%arg12 : memref<128x128xf32, #tpu.memory_space<vmem>>) dst(%dma_wait3A_331 : memref<128x128xf32, #tpu.memory_space<hbm>>)
    %dma_start3A_332 = arith.constant 17 : i32
    %dma_start3A_333 = arith.constant 0 : i32
    %dma_start3A_334 = tpu.memref_slice %arg6[%dma_start3A_332, %dma_start3A_333] : memref<32x128xi32, #tpu.memory_space<vmem>> -> memref<1x128xi32, #tpu.memory_space<vmem>>
    %dma_start3A_335 = tpu.memref_squeeze %dma_start3A_334 : memref<1x128xi32, #tpu.memory_space<vmem>> -> memref<128xi32, #tpu.memory_space<vmem>>
    %dma_start3A_336 = arith.constant 0 : i32
    %dma_start3A_337 = arith.constant 0 : i32
    %dma_start3A_338 = tpu.memref_slice %arg3[%dma_start3A_336, %dma_start3A_337] : memref<520x128xf32, #tpu.memory_space<hbm>> -> memref<520x128xf32, #tpu.memory_space<hbm>>
    tpu.enqueue_indirect_dma source(%dma_start3A_338 : memref<520x128xf32, #tpu.memory_space<hbm>>) target(%arg12 : memref<128x128xf32, #tpu.memory_space<vmem>>) offsets(%dma_start3A_335 : memref<128xi32, #tpu.memory_space<vmem>>) semaphore(%arg18 : memref<!tpu.dma_semaphore, #tpu.memory_space<semaphore_mem>>)
    %dma_wait3A_339 = arith.constant 12 : i32
    %dma_wait3A_340 = arith.constant 0 : i32
    %dma_wait3A_341 = tpu.memref_slice %arg6[%dma_wait3A_339, %dma_wait3A_340] : memref<32x128xi32, #tpu.memory_space<vmem>> -> memref<1x128xi32, #tpu.memory_space<vmem>>
    %dma_wait3A_342 = tpu.memref_squeeze %dma_wait3A_341 : memref<1x128xi32, #tpu.memory_space<vmem>> -> memref<128xi32, #tpu.memory_space<vmem>>
    %dma_wait3A_343 = arith.constant 0 : i32
    %dma_wait3A_344 = arith.constant 0 : i32
    %dma_wait3A_345 = tpu.memref_slice %arg3[%dma_wait3A_343, %dma_wait3A_344] : memref<520x128xf32, #tpu.memory_space<hbm>> -> memref<520x128xf32, #tpu.memory_space<hbm>>
    tpu.wait_indirect_dma semaphore(%arg13 : memref<!tpu.dma_semaphore, #tpu.memory_space<semaphore_mem>>) src(%dma_wait3A_345 : memref<520x128xf32, #tpu.memory_space<hbm>>) dst(%arg7 : memref<128x128xf32, #tpu.memory_space<vmem>>)
    %add3A_346 = arith.constant 1536 : i32
    %add3A_347 = arith.addi %mul3A_2, %add3A_346 : i32
    %dma_start3A_348 = arith.constant 0 : i32
    %dma_start3A_349 = tpu.memref_slice %arg4[%add3A_347, %dma_start3A_348] : memref<131072x128xf32, #tpu.memory_space<hbm>> -> memref<128x128xf32, #tpu.memory_space<hbm>>
    %dma_start3A_350 = arith.constant 0 : i32
    %dma_start3A_351 = tpu.memref_slice %arg4[%add3A_347, %dma_start3A_350] : memref<131072x128xf32, #tpu.memory_space<hbm>> -> memref<128x128xf32, #tpu.memory_space<hbm>>
    tpu.enqueue_dma source(%arg7 : memref<128x128xf32, #tpu.memory_space<vmem>>) target(%dma_start3A_351 : memref<128x128xf32, #tpu.memory_space<hbm>>) target_semaphore(%arg19 : memref<!tpu.dma_semaphore, #tpu.memory_space<semaphore_mem>>)
    %dma_wait3A_352 = arith.constant 0 : i32
    %dma_wait3A_353 = tpu.memref_slice %arg4[%add3A_347, %dma_wait3A_352] : memref<131072x128xf32, #tpu.memory_space<hbm>> -> memref<128x128xf32, #tpu.memory_space<hbm>>
    %dma_wait3A_354 = arith.constant 0 : i32
    %dma_wait3A_355 = tpu.memref_slice %arg4[%add3A_347, %dma_wait3A_354] : memref<131072x128xf32, #tpu.memory_space<hbm>> -> memref<128x128xf32, #tpu.memory_space<hbm>>
    tpu.wait_dma2 semaphore(%arg19 : memref<!tpu.dma_semaphore, #tpu.memory_space<semaphore_mem>>) src(%arg7 : memref<128x128xf32, #tpu.memory_space<vmem>>) dst(%dma_wait3A_355 : memref<128x128xf32, #tpu.memory_space<hbm>>)
    %dma_start3A_356 = arith.constant 18 : i32
    %dma_start3A_357 = arith.constant 0 : i32
    %dma_start3A_358 = tpu.memref_slice %arg6[%dma_start3A_356, %dma_start3A_357] : memref<32x128xi32, #tpu.memory_space<vmem>> -> memref<1x128xi32, #tpu.memory_space<vmem>>
    %dma_start3A_359 = tpu.memref_squeeze %dma_start3A_358 : memref<1x128xi32, #tpu.memory_space<vmem>> -> memref<128xi32, #tpu.memory_space<vmem>>
    %dma_start3A_360 = arith.constant 0 : i32
    %dma_start3A_361 = arith.constant 0 : i32
    %dma_start3A_362 = tpu.memref_slice %arg3[%dma_start3A_360, %dma_start3A_361] : memref<520x128xf32, #tpu.memory_space<hbm>> -> memref<520x128xf32, #tpu.memory_space<hbm>>
    tpu.enqueue_indirect_dma source(%dma_start3A_362 : memref<520x128xf32, #tpu.memory_space<hbm>>) target(%arg7 : memref<128x128xf32, #tpu.memory_space<vmem>>) offsets(%dma_start3A_359 : memref<128xi32, #tpu.memory_space<vmem>>) semaphore(%arg13 : memref<!tpu.dma_semaphore, #tpu.memory_space<semaphore_mem>>)
    %dma_wait3A_363 = arith.constant 13 : i32
    %dma_wait3A_364 = arith.constant 0 : i32
    %dma_wait3A_365 = tpu.memref_slice %arg6[%dma_wait3A_363, %dma_wait3A_364] : memref<32x128xi32, #tpu.memory_space<vmem>> -> memref<1x128xi32, #tpu.memory_space<vmem>>
    %dma_wait3A_366 = tpu.memref_squeeze %dma_wait3A_365 : memref<1x128xi32, #tpu.memory_space<vmem>> -> memref<128xi32, #tpu.memory_space<vmem>>
    %dma_wait3A_367 = arith.constant 0 : i32
    %dma_wait3A_368 = arith.constant 0 : i32
    %dma_wait3A_369 = tpu.memref_slice %arg3[%dma_wait3A_367, %dma_wait3A_368] : memref<520x128xf32, #tpu.memory_space<hbm>> -> memref<520x128xf32, #tpu.memory_space<hbm>>
    tpu.wait_indirect_dma semaphore(%arg14 : memref<!tpu.dma_semaphore, #tpu.memory_space<semaphore_mem>>) src(%dma_wait3A_369 : memref<520x128xf32, #tpu.memory_space<hbm>>) dst(%arg8 : memref<128x128xf32, #tpu.memory_space<vmem>>)
    %add3A_370 = arith.constant 1664 : i32
    %add3A_371 = arith.addi %mul3A_2, %add3A_370 : i32
    %dma_start3A_372 = arith.constant 0 : i32
    %dma_start3A_373 = tpu.memref_slice %arg4[%add3A_371, %dma_start3A_372] : memref<131072x128xf32, #tpu.memory_space<hbm>> -> memref<128x128xf32, #tpu.memory_space<hbm>>
    %dma_start3A_374 = arith.constant 0 : i32
    %dma_start3A_375 = tpu.memref_slice %arg4[%add3A_371, %dma_start3A_374] : memref<131072x128xf32, #tpu.memory_space<hbm>> -> memref<128x128xf32, #tpu.memory_space<hbm>>
    tpu.enqueue_dma source(%arg8 : memref<128x128xf32, #tpu.memory_space<vmem>>) target(%dma_start3A_375 : memref<128x128xf32, #tpu.memory_space<hbm>>) target_semaphore(%arg20 : memref<!tpu.dma_semaphore, #tpu.memory_space<semaphore_mem>>)
    %dma_wait3A_376 = arith.constant 0 : i32
    %dma_wait3A_377 = tpu.memref_slice %arg4[%add3A_371, %dma_wait3A_376] : memref<131072x128xf32, #tpu.memory_space<hbm>> -> memref<128x128xf32, #tpu.memory_space<hbm>>
    %dma_wait3A_378 = arith.constant 0 : i32
    %dma_wait3A_379 = tpu.memref_slice %arg4[%add3A_371, %dma_wait3A_378] : memref<131072x128xf32, #tpu.memory_space<hbm>> -> memref<128x128xf32, #tpu.memory_space<hbm>>
    tpu.wait_dma2 semaphore(%arg20 : memref<!tpu.dma_semaphore, #tpu.memory_space<semaphore_mem>>) src(%arg8 : memref<128x128xf32, #tpu.memory_space<vmem>>) dst(%dma_wait3A_379 : memref<128x128xf32, #tpu.memory_space<hbm>>)
    %dma_start3A_380 = arith.constant 19 : i32
    %dma_start3A_381 = arith.constant 0 : i32
    %dma_start3A_382 = tpu.memref_slice %arg6[%dma_start3A_380, %dma_start3A_381] : memref<32x128xi32, #tpu.memory_space<vmem>> -> memref<1x128xi32, #tpu.memory_space<vmem>>
    %dma_start3A_383 = tpu.memref_squeeze %dma_start3A_382 : memref<1x128xi32, #tpu.memory_space<vmem>> -> memref<128xi32, #tpu.memory_space<vmem>>
    %dma_start3A_384 = arith.constant 0 : i32
    %dma_start3A_385 = arith.constant 0 : i32
    %dma_start3A_386 = tpu.memref_slice %arg3[%dma_start3A_384, %dma_start3A_385] : memref<520x128xf32, #tpu.memory_space<hbm>> -> memref<520x128xf32, #tpu.memory_space<hbm>>
    tpu.enqueue_indirect_dma source(%dma_start3A_386 : memref<520x128xf32, #tpu.memory_space<hbm>>) target(%arg8 : memref<128x128xf32, #tpu.memory_space<vmem>>) offsets(%dma_start3A_383 : memref<128xi32, #tpu.memory_space<vmem>>) semaphore(%arg14 : memref<!tpu.dma_semaphore, #tpu.memory_space<semaphore_mem>>)
    %dma_wait3A_387 = arith.constant 14 : i32
    %dma_wait3A_388 = arith.constant 0 : i32
    %dma_wait3A_389 = tpu.memref_slice %arg6[%dma_wait3A_387, %dma_wait3A_388] : memref<32x128xi32, #tpu.memory_space<vmem>> -> memref<1x128xi32, #tpu.memory_space<vmem>>
    %dma_wait3A_390 = tpu.memref_squeeze %dma_wait3A_389 : memref<1x128xi32, #tpu.memory_space<vmem>> -> memref<128xi32, #tpu.memory_space<vmem>>
    %dma_wait3A_391 = arith.constant 0 : i32
    %dma_wait3A_392 = arith.constant 0 : i32
    %dma_wait3A_393 = tpu.memref_slice %arg3[%dma_wait3A_391, %dma_wait3A_392] : memref<520x128xf32, #tpu.memory_space<hbm>> -> memref<520x128xf32, #tpu.memory_space<hbm>>
    tpu.wait_indirect_dma semaphore(%arg15 : memref<!tpu.dma_semaphore, #tpu.memory_space<semaphore_mem>>) src(%dma_wait3A_393 : memref<520x128xf32, #tpu.memory_space<hbm>>) dst(%arg9 : memref<128x128xf32, #tpu.memory_space<vmem>>)
    %add3A_394 = arith.constant 1792 : i32
    %add3A_395 = arith.addi %mul3A_2, %add3A_394 : i32
    %dma_start3A_396 = arith.constant 0 : i32
    %dma_start3A_397 = tpu.memref_slice %arg4[%add3A_395, %dma_start3A_396] : memref<131072x128xf32, #tpu.memory_space<hbm>> -> memref<128x128xf32, #tpu.memory_space<hbm>>
    %dma_start3A_398 = arith.constant 0 : i32
    %dma_start3A_399 = tpu.memref_slice %arg4[%add3A_395, %dma_start3A_398] : memref<131072x128xf32, #tpu.memory_space<hbm>> -> memref<128x128xf32, #tpu.memory_space<hbm>>
    tpu.enqueue_dma source(%arg9 : memref<128x128xf32, #tpu.memory_space<vmem>>) target(%dma_start3A_399 : memref<128x128xf32, #tpu.memory_space<hbm>>) target_semaphore(%arg21 : memref<!tpu.dma_semaphore, #tpu.memory_space<semaphore_mem>>)
    %dma_wait3A_400 = arith.constant 0 : i32
    %dma_wait3A_401 = tpu.memref_slice %arg4[%add3A_395, %dma_wait3A_400] : memref<131072x128xf32, #tpu.memory_space<hbm>> -> memref<128x128xf32, #tpu.memory_space<hbm>>
    %dma_wait3A_402 = arith.constant 0 : i32
    %dma_wait3A_403 = tpu.memref_slice %arg4[%add3A_395, %dma_wait3A_402] : memref<131072x128xf32, #tpu.memory_space<hbm>> -> memref<128x128xf32, #tpu.memory_space<hbm>>
    tpu.wait_dma2 semaphore(%arg21 : memref<!tpu.dma_semaphore, #tpu.memory_space<semaphore_mem>>) src(%arg9 : memref<128x128xf32, #tpu.memory_space<vmem>>) dst(%dma_wait3A_403 : memref<128x128xf32, #tpu.memory_space<hbm>>)
    %dma_start3A_404 = arith.constant 20 : i32
    %dma_start3A_405 = arith.constant 0 : i32
    %dma_start3A_406 = tpu.memref_slice %arg6[%dma_start3A_404, %dma_start3A_405] : memref<32x128xi32, #tpu.memory_space<vmem>> -> memref<1x128xi32, #tpu.memory_space<vmem>>
    %dma_start3A_407 = tpu.memref_squeeze %dma_start3A_406 : memref<1x128xi32, #tpu.memory_space<vmem>> -> memref<128xi32, #tpu.memory_space<vmem>>
    %dma_start3A_408 = arith.constant 0 : i32
    %dma_start3A_409 = arith.constant 0 : i32
    %dma_start3A_410 = tpu.memref_slice %arg3[%dma_start3A_408, %dma_start3A_409] : memref<520x128xf32, #tpu.memory_space<hbm>> -> memref<520x128xf32, #tpu.memory_space<hbm>>
    tpu.enqueue_indirect_dma source(%dma_start3A_410 : memref<520x128xf32, #tpu.memory_space<hbm>>) target(%arg9 : memref<128x128xf32, #tpu.memory_space<vmem>>) offsets(%dma_start3A_407 : memref<128xi32, #tpu.memory_space<vmem>>) semaphore(%arg15 : memref<!tpu.dma_semaphore, #tpu.memory_space<semaphore_mem>>)
    %dma_wait3A_411 = arith.constant 15 : i32
    %dma_wait3A_412 = arith.constant 0 : i32
    %dma_wait3A_413 = tpu.memref_slice %arg6[%dma_wait3A_411, %dma_wait3A_412] : memref<32x128xi32, #tpu.memory_space<vmem>> -> memref<1x128xi32, #tpu.memory_space<vmem>>
    %dma_wait3A_414 = tpu.memref_squeeze %dma_wait3A_413 : memref<1x128xi32, #tpu.memory_space<vmem>> -> memref<128xi32, #tpu.memory_space<vmem>>
    %dma_wait3A_415 = arith.constant 0 : i32
    %dma_wait3A_416 = arith.constant 0 : i32
    %dma_wait3A_417 = tpu.memref_slice %arg3[%dma_wait3A_415, %dma_wait3A_416] : memref<520x128xf32, #tpu.memory_space<hbm>> -> memref<520x128xf32, #tpu.memory_space<hbm>>
    tpu.wait_indirect_dma semaphore(%arg16 : memref<!tpu.dma_semaphore, #tpu.memory_space<semaphore_mem>>) src(%dma_wait3A_417 : memref<520x128xf32, #tpu.memory_space<hbm>>) dst(%arg10 : memref<128x128xf32, #tpu.memory_space<vmem>>)
    %add3A_418 = arith.constant 1920 : i32
    %add3A_419 = arith.addi %mul3A_2, %add3A_418 : i32
    %dma_start3A_420 = arith.constant 0 : i32
    %dma_start3A_421 = tpu.memref_slice %arg4[%add3A_419, %dma_start3A_420] : memref<131072x128xf32, #tpu.memory_space<hbm>> -> memref<128x128xf32, #tpu.memory_space<hbm>>
    %dma_start3A_422 = arith.constant 0 : i32
    %dma_start3A_423 = tpu.memref_slice %arg4[%add3A_419, %dma_start3A_422] : memref<131072x128xf32, #tpu.memory_space<hbm>> -> memref<128x128xf32, #tpu.memory_space<hbm>>
    tpu.enqueue_dma source(%arg10 : memref<128x128xf32, #tpu.memory_space<vmem>>) target(%dma_start3A_423 : memref<128x128xf32, #tpu.memory_space<hbm>>) target_semaphore(%arg22 : memref<!tpu.dma_semaphore, #tpu.memory_space<semaphore_mem>>)
    %dma_wait3A_424 = arith.constant 0 : i32
    %dma_wait3A_425 = tpu.memref_slice %arg4[%add3A_419, %dma_wait3A_424] : memref<131072x128xf32, #tpu.memory_space<hbm>> -> memref<128x128xf32, #tpu.memory_space<hbm>>
    %dma_wait3A_426 = arith.constant 0 : i32
    %dma_wait3A_427 = tpu.memref_slice %arg4[%add3A_419, %dma_wait3A_426] : memref<131072x128xf32, #tpu.memory_space<hbm>> -> memref<128x128xf32, #tpu.memory_space<hbm>>
    tpu.wait_dma2 semaphore(%arg22 : memref<!tpu.dma_semaphore, #tpu.memory_space<semaphore_mem>>) src(%arg10 : memref<128x128xf32, #tpu.memory_space<vmem>>) dst(%dma_wait3A_427 : memref<128x128xf32, #tpu.memory_space<hbm>>)
    %dma_start3A_428 = arith.constant 21 : i32
    %dma_start3A_429 = arith.constant 0 : i32
    %dma_start3A_430 = tpu.memref_slice %arg6[%dma_start3A_428, %dma_start3A_429] : memref<32x128xi32, #tpu.memory_space<vmem>> -> memref<1x128xi32, #tpu.memory_space<vmem>>
    %dma_start3A_431 = tpu.memref_squeeze %dma_start3A_430 : memref<1x128xi32, #tpu.memory_space<vmem>> -> memref<128xi32, #tpu.memory_space<vmem>>
    %dma_start3A_432 = arith.constant 0 : i32
    %dma_start3A_433 = arith.constant 0 : i32
    %dma_start3A_434 = tpu.memref_slice %arg3[%dma_start3A_432, %dma_start3A_433] : memref<520x128xf32, #tpu.memory_space<hbm>> -> memref<520x128xf32, #tpu.memory_space<hbm>>
    tpu.enqueue_indirect_dma source(%dma_start3A_434 : memref<520x128xf32, #tpu.memory_space<hbm>>) target(%arg10 : memref<128x128xf32, #tpu.memory_space<vmem>>) offsets(%dma_start3A_431 : memref<128xi32, #tpu.memory_space<vmem>>) semaphore(%arg16 : memref<!tpu.dma_semaphore, #tpu.memory_space<semaphore_mem>>)
    %dma_wait3A_435 = arith.constant 16 : i32
    %dma_wait3A_436 = arith.constant 0 : i32
    %dma_wait3A_437 = tpu.memref_slice %arg6[%dma_wait3A_435, %dma_wait3A_436] : memref<32x128xi32, #tpu.memory_space<vmem>> -> memref<1x128xi32, #tpu.memory_space<vmem>>
    %dma_wait3A_438 = tpu.memref_squeeze %dma_wait3A_437 : memref<1x128xi32, #tpu.memory_space<vmem>> -> memref<128xi32, #tpu.memory_space<vmem>>
    %dma_wait3A_439 = arith.constant 0 : i32
    %dma_wait3A_440 = arith.constant 0 : i32
    %dma_wait3A_441 = tpu.memref_slice %arg3[%dma_wait3A_439, %dma_wait3A_440] : memref<520x128xf32, #tpu.memory_space<hbm>> -> memref<520x128xf32, #tpu.memory_space<hbm>>
    tpu.wait_indirect_dma semaphore(%arg17 : memref<!tpu.dma_semaphore, #tpu.memory_space<semaphore_mem>>) src(%dma_wait3A_441 : memref<520x128xf32, #tpu.memory_space<hbm>>) dst(%arg11 : memref<128x128xf32, #tpu.memory_space<vmem>>)
    %add3A_442 = arith.constant 2048 : i32
    %add3A_443 = arith.addi %mul3A_2, %add3A_442 : i32
    %dma_start3A_444 = arith.constant 0 : i32
    %dma_start3A_445 = tpu.memref_slice %arg4[%add3A_443, %dma_start3A_444] : memref<131072x128xf32, #tpu.memory_space<hbm>> -> memref<128x128xf32, #tpu.memory_space<hbm>>
    %dma_start3A_446 = arith.constant 0 : i32
    %dma_start3A_447 = tpu.memref_slice %arg4[%add3A_443, %dma_start3A_446] : memref<131072x128xf32, #tpu.memory_space<hbm>> -> memref<128x128xf32, #tpu.memory_space<hbm>>
    tpu.enqueue_dma source(%arg11 : memref<128x128xf32, #tpu.memory_space<vmem>>) target(%dma_start3A_447 : memref<128x128xf32, #tpu.memory_space<hbm>>) target_semaphore(%arg23 : memref<!tpu.dma_semaphore, #tpu.memory_space<semaphore_mem>>)
    %dma_wait3A_448 = arith.constant 0 : i32
    %dma_wait3A_449 = tpu.memref_slice %arg4[%add3A_443, %dma_wait3A_448] : memref<131072x128xf32, #tpu.memory_space<hbm>> -> memref<128x128xf32, #tpu.memory_space<hbm>>
    %dma_wait3A_450 = arith.constant 0 : i32
    %dma_wait3A_451 = tpu.memref_slice %arg4[%add3A_443, %dma_wait3A_450] : memref<131072x128xf32, #tpu.memory_space<hbm>> -> memref<128x128xf32, #tpu.memory_space<hbm>>
    tpu.wait_dma2 semaphore(%arg23 : memref<!tpu.dma_semaphore, #tpu.memory_space<semaphore_mem>>) src(%arg11 : memref<128x128xf32, #tpu.memory_space<vmem>>) dst(%dma_wait3A_451 : memref<128x128xf32, #tpu.memory_space<hbm>>)
    %dma_start3A_452 = arith.constant 22 : i32
    %dma_start3A_453 = arith.constant 0 : i32
    %dma_start3A_454 = tpu.memref_slice %arg6[%dma_start3A_452, %dma_start3A_453] : memref<32x128xi32, #tpu.memory_space<vmem>> -> memref<1x128xi32, #tpu.memory_space<vmem>>
    %dma_start3A_455 = tpu.memref_squeeze %dma_start3A_454 : memref<1x128xi32, #tpu.memory_space<vmem>> -> memref<128xi32, #tpu.memory_space<vmem>>
    %dma_start3A_456 = arith.constant 0 : i32
    %dma_start3A_457 = arith.constant 0 : i32
    %dma_start3A_458 = tpu.memref_slice %arg3[%dma_start3A_456, %dma_start3A_457] : memref<520x128xf32, #tpu.memory_space<hbm>> -> memref<520x128xf32, #tpu.memory_space<hbm>>
    tpu.enqueue_indirect_dma source(%dma_start3A_458 : memref<520x128xf32, #tpu.memory_space<hbm>>) target(%arg11 : memref<128x128xf32, #tpu.memory_space<vmem>>) offsets(%dma_start3A_455 : memref<128xi32, #tpu.memory_space<vmem>>) semaphore(%arg17 : memref<!tpu.dma_semaphore, #tpu.memory_space<semaphore_mem>>)
    %dma_wait3A_459 = arith.constant 17 : i32
    %dma_wait3A_460 = arith.constant 0 : i32
    %dma_wait3A_461 = tpu.memref_slice %arg6[%dma_wait3A_459, %dma_wait3A_460] : memref<32x128xi32, #tpu.memory_space<vmem>> -> memref<1x128xi32, #tpu.memory_space<vmem>>
    %dma_wait3A_462 = tpu.memref_squeeze %dma_wait3A_461 : memref<1x128xi32, #tpu.memory_space<vmem>> -> memref<128xi32, #tpu.memory_space<vmem>>
    %dma_wait3A_463 = arith.constant 0 : i32
    %dma_wait3A_464 = arith.constant 0 : i32
    %dma_wait3A_465 = tpu.memref_slice %arg3[%dma_wait3A_463, %dma_wait3A_464] : memref<520x128xf32, #tpu.memory_space<hbm>> -> memref<520x128xf32, #tpu.memory_space<hbm>>
    tpu.wait_indirect_dma semaphore(%arg18 : memref<!tpu.dma_semaphore, #tpu.memory_space<semaphore_mem>>) src(%dma_wait3A_465 : memref<520x128xf32, #tpu.memory_space<hbm>>) dst(%arg12 : memref<128x128xf32, #tpu.memory_space<vmem>>)
    %add3A_466 = arith.constant 2176 : i32
    %add3A_467 = arith.addi %mul3A_2, %add3A_466 : i32
    %dma_start3A_468 = arith.constant 0 : i32
    %dma_start3A_469 = tpu.memref_slice %arg4[%add3A_467, %dma_start3A_468] : memref<131072x128xf32, #tpu.memory_space<hbm>> -> memref<128x128xf32, #tpu.memory_space<hbm>>
    %dma_start3A_470 = arith.constant 0 : i32
    %dma_start3A_471 = tpu.memref_slice %arg4[%add3A_467, %dma_start3A_470] : memref<131072x128xf32, #tpu.memory_space<hbm>> -> memref<128x128xf32, #tpu.memory_space<hbm>>
    tpu.enqueue_dma source(%arg12 : memref<128x128xf32, #tpu.memory_space<vmem>>) target(%dma_start3A_471 : memref<128x128xf32, #tpu.memory_space<hbm>>) target_semaphore(%arg24 : memref<!tpu.dma_semaphore, #tpu.memory_space<semaphore_mem>>)
    %dma_wait3A_472 = arith.constant 0 : i32
    %dma_wait3A_473 = tpu.memref_slice %arg4[%add3A_467, %dma_wait3A_472] : memref<131072x128xf32, #tpu.memory_space<hbm>> -> memref<128x128xf32, #tpu.memory_space<hbm>>
    %dma_wait3A_474 = arith.constant 0 : i32
    %dma_wait3A_475 = tpu.memref_slice %arg4[%add3A_467, %dma_wait3A_474] : memref<131072x128xf32, #tpu.memory_space<hbm>> -> memref<128x128xf32, #tpu.memory_space<hbm>>
    tpu.wait_dma2 semaphore(%arg24 : memref<!tpu.dma_semaphore, #tpu.memory_space<semaphore_mem>>) src(%arg12 : memref<128x128xf32, #tpu.memory_space<vmem>>) dst(%dma_wait3A_475 : memref<128x128xf32, #tpu.memory_space<hbm>>)
    %dma_start3A_476 = arith.constant 23 : i32
    %dma_start3A_477 = arith.constant 0 : i32
    %dma_start3A_478 = tpu.memref_slice %arg6[%dma_start3A_476, %dma_start3A_477] : memref<32x128xi32, #tpu.memory_space<vmem>> -> memref<1x128xi32, #tpu.memory_space<vmem>>
    %dma_start3A_479 = tpu.memref_squeeze %dma_start3A_478 : memref<1x128xi32, #tpu.memory_space<vmem>> -> memref<128xi32, #tpu.memory_space<vmem>>
    %dma_start3A_480 = arith.constant 0 : i32
    %dma_start3A_481 = arith.constant 0 : i32
    %dma_start3A_482 = tpu.memref_slice %arg3[%dma_start3A_480, %dma_start3A_481] : memref<520x128xf32, #tpu.memory_space<hbm>> -> memref<520x128xf32, #tpu.memory_space<hbm>>
    tpu.enqueue_indirect_dma source(%dma_start3A_482 : memref<520x128xf32, #tpu.memory_space<hbm>>) target(%arg12 : memref<128x128xf32, #tpu.memory_space<vmem>>) offsets(%dma_start3A_479 : memref<128xi32, #tpu.memory_space<vmem>>) semaphore(%arg18 : memref<!tpu.dma_semaphore, #tpu.memory_space<semaphore_mem>>)
    %dma_wait3A_483 = arith.constant 18 : i32
    %dma_wait3A_484 = arith.constant 0 : i32
    %dma_wait3A_485 = tpu.memref_slice %arg6[%dma_wait3A_483, %dma_wait3A_484] : memref<32x128xi32, #tpu.memory_space<vmem>> -> memref<1x128xi32, #tpu.memory_space<vmem>>
    %dma_wait3A_486 = tpu.memref_squeeze %dma_wait3A_485 : memref<1x128xi32, #tpu.memory_space<vmem>> -> memref<128xi32, #tpu.memory_space<vmem>>
    %dma_wait3A_487 = arith.constant 0 : i32
    %dma_wait3A_488 = arith.constant 0 : i32
    %dma_wait3A_489 = tpu.memref_slice %arg3[%dma_wait3A_487, %dma_wait3A_488] : memref<520x128xf32, #tpu.memory_space<hbm>> -> memref<520x128xf32, #tpu.memory_space<hbm>>
    tpu.wait_indirect_dma semaphore(%arg13 : memref<!tpu.dma_semaphore, #tpu.memory_space<semaphore_mem>>) src(%dma_wait3A_489 : memref<520x128xf32, #tpu.memory_space<hbm>>) dst(%arg7 : memref<128x128xf32, #tpu.memory_space<vmem>>)
    %add3A_490 = arith.constant 2304 : i32
    %add3A_491 = arith.addi %mul3A_2, %add3A_490 : i32
    %dma_start3A_492 = arith.constant 0 : i32
    %dma_start3A_493 = tpu.memref_slice %arg4[%add3A_491, %dma_start3A_492] : memref<131072x128xf32, #tpu.memory_space<hbm>> -> memref<128x128xf32, #tpu.memory_space<hbm>>
    %dma_start3A_494 = arith.constant 0 : i32
    %dma_start3A_495 = tpu.memref_slice %arg4[%add3A_491, %dma_start3A_494] : memref<131072x128xf32, #tpu.memory_space<hbm>> -> memref<128x128xf32, #tpu.memory_space<hbm>>
    tpu.enqueue_dma source(%arg7 : memref<128x128xf32, #tpu.memory_space<vmem>>) target(%dma_start3A_495 : memref<128x128xf32, #tpu.memory_space<hbm>>) target_semaphore(%arg19 : memref<!tpu.dma_semaphore, #tpu.memory_space<semaphore_mem>>)
    %dma_wait3A_496 = arith.constant 0 : i32
    %dma_wait3A_497 = tpu.memref_slice %arg4[%add3A_491, %dma_wait3A_496] : memref<131072x128xf32, #tpu.memory_space<hbm>> -> memref<128x128xf32, #tpu.memory_space<hbm>>
    %dma_wait3A_498 = arith.constant 0 : i32
    %dma_wait3A_499 = tpu.memref_slice %arg4[%add3A_491, %dma_wait3A_498] : memref<131072x128xf32, #tpu.memory_space<hbm>> -> memref<128x128xf32, #tpu.memory_space<hbm>>
    tpu.wait_dma2 semaphore(%arg19 : memref<!tpu.dma_semaphore, #tpu.memory_space<semaphore_mem>>) src(%arg7 : memref<128x128xf32, #tpu.memory_space<vmem>>) dst(%dma_wait3A_499 : memref<128x128xf32, #tpu.memory_space<hbm>>)
    %dma_start3A_500 = arith.constant 24 : i32
    %dma_start3A_501 = arith.constant 0 : i32
    %dma_start3A_502 = tpu.memref_slice %arg6[%dma_start3A_500, %dma_start3A_501] : memref<32x128xi32, #tpu.memory_space<vmem>> -> memref<1x128xi32, #tpu.memory_space<vmem>>
    %dma_start3A_503 = tpu.memref_squeeze %dma_start3A_502 : memref<1x128xi32, #tpu.memory_space<vmem>> -> memref<128xi32, #tpu.memory_space<vmem>>
    %dma_start3A_504 = arith.constant 0 : i32
    %dma_start3A_505 = arith.constant 0 : i32
    %dma_start3A_506 = tpu.memref_slice %arg3[%dma_start3A_504, %dma_start3A_505] : memref<520x128xf32, #tpu.memory_space<hbm>> -> memref<520x128xf32, #tpu.memory_space<hbm>>
    tpu.enqueue_indirect_dma source(%dma_start3A_506 : memref<520x128xf32, #tpu.memory_space<hbm>>) target(%arg7 : memref<128x128xf32, #tpu.memory_space<vmem>>) offsets(%dma_start3A_503 : memref<128xi32, #tpu.memory_space<vmem>>) semaphore(%arg13 : memref<!tpu.dma_semaphore, #tpu.memory_space<semaphore_mem>>)
    %dma_wait3A_507 = arith.constant 19 : i32
    %dma_wait3A_508 = arith.constant 0 : i32
    %dma_wait3A_509 = tpu.memref_slice %arg6[%dma_wait3A_507, %dma_wait3A_508] : memref<32x128xi32, #tpu.memory_space<vmem>> -> memref<1x128xi32, #tpu.memory_space<vmem>>
    %dma_wait3A_510 = tpu.memref_squeeze %dma_wait3A_509 : memref<1x128xi32, #tpu.memory_space<vmem>> -> memref<128xi32, #tpu.memory_space<vmem>>
    %dma_wait3A_511 = arith.constant 0 : i32
    %dma_wait3A_512 = arith.constant 0 : i32
    %dma_wait3A_513 = tpu.memref_slice %arg3[%dma_wait3A_511, %dma_wait3A_512] : memref<520x128xf32, #tpu.memory_space<hbm>> -> memref<520x128xf32, #tpu.memory_space<hbm>>
    tpu.wait_indirect_dma semaphore(%arg14 : memref<!tpu.dma_semaphore, #tpu.memory_space<semaphore_mem>>) src(%dma_wait3A_513 : memref<520x128xf32, #tpu.memory_space<hbm>>) dst(%arg8 : memref<128x128xf32, #tpu.memory_space<vmem>>)
    %add3A_514 = arith.constant 2432 : i32
    %add3A_515 = arith.addi %mul3A_2, %add3A_514 : i32
    %dma_start3A_516 = arith.constant 0 : i32
    %dma_start3A_517 = tpu.memref_slice %arg4[%add3A_515, %dma_start3A_516] : memref<131072x128xf32, #tpu.memory_space<hbm>> -> memref<128x128xf32, #tpu.memory_space<hbm>>
    %dma_start3A_518 = arith.constant 0 : i32
    %dma_start3A_519 = tpu.memref_slice %arg4[%add3A_515, %dma_start3A_518] : memref<131072x128xf32, #tpu.memory_space<hbm>> -> memref<128x128xf32, #tpu.memory_space<hbm>>
    tpu.enqueue_dma source(%arg8 : memref<128x128xf32, #tpu.memory_space<vmem>>) target(%dma_start3A_519 : memref<128x128xf32, #tpu.memory_space<hbm>>) target_semaphore(%arg20 : memref<!tpu.dma_semaphore, #tpu.memory_space<semaphore_mem>>)
    %dma_wait3A_520 = arith.constant 0 : i32
    %dma_wait3A_521 = tpu.memref_slice %arg4[%add3A_515, %dma_wait3A_520] : memref<131072x128xf32, #tpu.memory_space<hbm>> -> memref<128x128xf32, #tpu.memory_space<hbm>>
    %dma_wait3A_522 = arith.constant 0 : i32
    %dma_wait3A_523 = tpu.memref_slice %arg4[%add3A_515, %dma_wait3A_522] : memref<131072x128xf32, #tpu.memory_space<hbm>> -> memref<128x128xf32, #tpu.memory_space<hbm>>
    tpu.wait_dma2 semaphore(%arg20 : memref<!tpu.dma_semaphore, #tpu.memory_space<semaphore_mem>>) src(%arg8 : memref<128x128xf32, #tpu.memory_space<vmem>>) dst(%dma_wait3A_523 : memref<128x128xf32, #tpu.memory_space<hbm>>)
    %dma_start3A_524 = arith.constant 25 : i32
    %dma_start3A_525 = arith.constant 0 : i32
    %dma_start3A_526 = tpu.memref_slice %arg6[%dma_start3A_524, %dma_start3A_525] : memref<32x128xi32, #tpu.memory_space<vmem>> -> memref<1x128xi32, #tpu.memory_space<vmem>>
    %dma_start3A_527 = tpu.memref_squeeze %dma_start3A_526 : memref<1x128xi32, #tpu.memory_space<vmem>> -> memref<128xi32, #tpu.memory_space<vmem>>
    %dma_start3A_528 = arith.constant 0 : i32
    %dma_start3A_529 = arith.constant 0 : i32
    %dma_start3A_530 = tpu.memref_slice %arg3[%dma_start3A_528, %dma_start3A_529] : memref<520x128xf32, #tpu.memory_space<hbm>> -> memref<520x128xf32, #tpu.memory_space<hbm>>
    tpu.enqueue_indirect_dma source(%dma_start3A_530 : memref<520x128xf32, #tpu.memory_space<hbm>>) target(%arg8 : memref<128x128xf32, #tpu.memory_space<vmem>>) offsets(%dma_start3A_527 : memref<128xi32, #tpu.memory_space<vmem>>) semaphore(%arg14 : memref<!tpu.dma_semaphore, #tpu.memory_space<semaphore_mem>>)
    %dma_wait3A_531 = arith.constant 20 : i32
    %dma_wait3A_532 = arith.constant 0 : i32
    %dma_wait3A_533 = tpu.memref_slice %arg6[%dma_wait3A_531, %dma_wait3A_532] : memref<32x128xi32, #tpu.memory_space<vmem>> -> memref<1x128xi32, #tpu.memory_space<vmem>>
    %dma_wait3A_534 = tpu.memref_squeeze %dma_wait3A_533 : memref<1x128xi32, #tpu.memory_space<vmem>> -> memref<128xi32, #tpu.memory_space<vmem>>
    %dma_wait3A_535 = arith.constant 0 : i32
    %dma_wait3A_536 = arith.constant 0 : i32
    %dma_wait3A_537 = tpu.memref_slice %arg3[%dma_wait3A_535, %dma_wait3A_536] : memref<520x128xf32, #tpu.memory_space<hbm>> -> memref<520x128xf32, #tpu.memory_space<hbm>>
    tpu.wait_indirect_dma semaphore(%arg15 : memref<!tpu.dma_semaphore, #tpu.memory_space<semaphore_mem>>) src(%dma_wait3A_537 : memref<520x128xf32, #tpu.memory_space<hbm>>) dst(%arg9 : memref<128x128xf32, #tpu.memory_space<vmem>>)
    %add3A_538 = arith.constant 2560 : i32
    %add3A_539 = arith.addi %mul3A_2, %add3A_538 : i32
    %dma_start3A_540 = arith.constant 0 : i32
    %dma_start3A_541 = tpu.memref_slice %arg4[%add3A_539, %dma_start3A_540] : memref<131072x128xf32, #tpu.memory_space<hbm>> -> memref<128x128xf32, #tpu.memory_space<hbm>>
    %dma_start3A_542 = arith.constant 0 : i32
    %dma_start3A_543 = tpu.memref_slice %arg4[%add3A_539, %dma_start3A_542] : memref<131072x128xf32, #tpu.memory_space<hbm>> -> memref<128x128xf32, #tpu.memory_space<hbm>>
    tpu.enqueue_dma source(%arg9 : memref<128x128xf32, #tpu.memory_space<vmem>>) target(%dma_start3A_543 : memref<128x128xf32, #tpu.memory_space<hbm>>) target_semaphore(%arg21 : memref<!tpu.dma_semaphore, #tpu.memory_space<semaphore_mem>>)
    %dma_wait3A_544 = arith.constant 0 : i32
    %dma_wait3A_545 = tpu.memref_slice %arg4[%add3A_539, %dma_wait3A_544] : memref<131072x128xf32, #tpu.memory_space<hbm>> -> memref<128x128xf32, #tpu.memory_space<hbm>>
    %dma_wait3A_546 = arith.constant 0 : i32
    %dma_wait3A_547 = tpu.memref_slice %arg4[%add3A_539, %dma_wait3A_546] : memref<131072x128xf32, #tpu.memory_space<hbm>> -> memref<128x128xf32, #tpu.memory_space<hbm>>
    tpu.wait_dma2 semaphore(%arg21 : memref<!tpu.dma_semaphore, #tpu.memory_space<semaphore_mem>>) src(%arg9 : memref<128x128xf32, #tpu.memory_space<vmem>>) dst(%dma_wait3A_547 : memref<128x128xf32, #tpu.memory_space<hbm>>)
    %dma_start3A_548 = arith.constant 26 : i32
    %dma_start3A_549 = arith.constant 0 : i32
    %dma_start3A_550 = tpu.memref_slice %arg6[%dma_start3A_548, %dma_start3A_549] : memref<32x128xi32, #tpu.memory_space<vmem>> -> memref<1x128xi32, #tpu.memory_space<vmem>>
    %dma_start3A_551 = tpu.memref_squeeze %dma_start3A_550 : memref<1x128xi32, #tpu.memory_space<vmem>> -> memref<128xi32, #tpu.memory_space<vmem>>
    %dma_start3A_552 = arith.constant 0 : i32
    %dma_start3A_553 = arith.constant 0 : i32
    %dma_start3A_554 = tpu.memref_slice %arg3[%dma_start3A_552, %dma_start3A_553] : memref<520x128xf32, #tpu.memory_space<hbm>> -> memref<520x128xf32, #tpu.memory_space<hbm>>
    tpu.enqueue_indirect_dma source(%dma_start3A_554 : memref<520x128xf32, #tpu.memory_space<hbm>>) target(%arg9 : memref<128x128xf32, #tpu.memory_space<vmem>>) offsets(%dma_start3A_551 : memref<128xi32, #tpu.memory_space<vmem>>) semaphore(%arg15 : memref<!tpu.dma_semaphore, #tpu.memory_space<semaphore_mem>>)
    %dma_wait3A_555 = arith.constant 21 : i32
    %dma_wait3A_556 = arith.constant 0 : i32
    %dma_wait3A_557 = tpu.memref_slice %arg6[%dma_wait3A_555, %dma_wait3A_556] : memref<32x128xi32, #tpu.memory_space<vmem>> -> memref<1x128xi32, #tpu.memory_space<vmem>>
    %dma_wait3A_558 = tpu.memref_squeeze %dma_wait3A_557 : memref<1x128xi32, #tpu.memory_space<vmem>> -> memref<128xi32, #tpu.memory_space<vmem>>
    %dma_wait3A_559 = arith.constant 0 : i32
    %dma_wait3A_560 = arith.constant 0 : i32
    %dma_wait3A_561 = tpu.memref_slice %arg3[%dma_wait3A_559, %dma_wait3A_560] : memref<520x128xf32, #tpu.memory_space<hbm>> -> memref<520x128xf32, #tpu.memory_space<hbm>>
    tpu.wait_indirect_dma semaphore(%arg16 : memref<!tpu.dma_semaphore, #tpu.memory_space<semaphore_mem>>) src(%dma_wait3A_561 : memref<520x128xf32, #tpu.memory_space<hbm>>) dst(%arg10 : memref<128x128xf32, #tpu.memory_space<vmem>>)
    %add3A_562 = arith.constant 2688 : i32
    %add3A_563 = arith.addi %mul3A_2, %add3A_562 : i32
    %dma_start3A_564 = arith.constant 0 : i32
    %dma_start3A_565 = tpu.memref_slice %arg4[%add3A_563, %dma_start3A_564] : memref<131072x128xf32, #tpu.memory_space<hbm>> -> memref<128x128xf32, #tpu.memory_space<hbm>>
    %dma_start3A_566 = arith.constant 0 : i32
    %dma_start3A_567 = tpu.memref_slice %arg4[%add3A_563, %dma_start3A_566] : memref<131072x128xf32, #tpu.memory_space<hbm>> -> memref<128x128xf32, #tpu.memory_space<hbm>>
    tpu.enqueue_dma source(%arg10 : memref<128x128xf32, #tpu.memory_space<vmem>>) target(%dma_start3A_567 : memref<128x128xf32, #tpu.memory_space<hbm>>) target_semaphore(%arg22 : memref<!tpu.dma_semaphore, #tpu.memory_space<semaphore_mem>>)
    %dma_wait3A_568 = arith.constant 0 : i32
    %dma_wait3A_569 = tpu.memref_slice %arg4[%add3A_563, %dma_wait3A_568] : memref<131072x128xf32, #tpu.memory_space<hbm>> -> memref<128x128xf32, #tpu.memory_space<hbm>>
    %dma_wait3A_570 = arith.constant 0 : i32
    %dma_wait3A_571 = tpu.memref_slice %arg4[%add3A_563, %dma_wait3A_570] : memref<131072x128xf32, #tpu.memory_space<hbm>> -> memref<128x128xf32, #tpu.memory_space<hbm>>
    tpu.wait_dma2 semaphore(%arg22 : memref<!tpu.dma_semaphore, #tpu.memory_space<semaphore_mem>>) src(%arg10 : memref<128x128xf32, #tpu.memory_space<vmem>>) dst(%dma_wait3A_571 : memref<128x128xf32, #tpu.memory_space<hbm>>)
    %dma_start3A_572 = arith.constant 27 : i32
    %dma_start3A_573 = arith.constant 0 : i32
    %dma_start3A_574 = tpu.memref_slice %arg6[%dma_start3A_572, %dma_start3A_573] : memref<32x128xi32, #tpu.memory_space<vmem>> -> memref<1x128xi32, #tpu.memory_space<vmem>>
    %dma_start3A_575 = tpu.memref_squeeze %dma_start3A_574 : memref<1x128xi32, #tpu.memory_space<vmem>> -> memref<128xi32, #tpu.memory_space<vmem>>
    %dma_start3A_576 = arith.constant 0 : i32
    %dma_start3A_577 = arith.constant 0 : i32
    %dma_start3A_578 = tpu.memref_slice %arg3[%dma_start3A_576, %dma_start3A_577] : memref<520x128xf32, #tpu.memory_space<hbm>> -> memref<520x128xf32, #tpu.memory_space<hbm>>
    tpu.enqueue_indirect_dma source(%dma_start3A_578 : memref<520x128xf32, #tpu.memory_space<hbm>>) target(%arg10 : memref<128x128xf32, #tpu.memory_space<vmem>>) offsets(%dma_start3A_575 : memref<128xi32, #tpu.memory_space<vmem>>) semaphore(%arg16 : memref<!tpu.dma_semaphore, #tpu.memory_space<semaphore_mem>>)
    %dma_wait3A_579 = arith.constant 22 : i32
    %dma_wait3A_580 = arith.constant 0 : i32
    %dma_wait3A_581 = tpu.memref_slice %arg6[%dma_wait3A_579, %dma_wait3A_580] : memref<32x128xi32, #tpu.memory_space<vmem>> -> memref<1x128xi32, #tpu.memory_space<vmem>>
    %dma_wait3A_582 = tpu.memref_squeeze %dma_wait3A_581 : memref<1x128xi32, #tpu.memory_space<vmem>> -> memref<128xi32, #tpu.memory_space<vmem>>
    %dma_wait3A_583 = arith.constant 0 : i32
    %dma_wait3A_584 = arith.constant 0 : i32
    %dma_wait3A_585 = tpu.memref_slice %arg3[%dma_wait3A_583, %dma_wait3A_584] : memref<520x128xf32, #tpu.memory_space<hbm>> -> memref<520x128xf32, #tpu.memory_space<hbm>>
    tpu.wait_indirect_dma semaphore(%arg17 : memref<!tpu.dma_semaphore, #tpu.memory_space<semaphore_mem>>) src(%dma_wait3A_585 : memref<520x128xf32, #tpu.memory_space<hbm>>) dst(%arg11 : memref<128x128xf32, #tpu.memory_space<vmem>>)
    %add3A_586 = arith.constant 2816 : i32
    %add3A_587 = arith.addi %mul3A_2, %add3A_586 : i32
    %dma_start3A_588 = arith.constant 0 : i32
    %dma_start3A_589 = tpu.memref_slice %arg4[%add3A_587, %dma_start3A_588] : memref<131072x128xf32, #tpu.memory_space<hbm>> -> memref<128x128xf32, #tpu.memory_space<hbm>>
    %dma_start3A_590 = arith.constant 0 : i32
    %dma_start3A_591 = tpu.memref_slice %arg4[%add3A_587, %dma_start3A_590] : memref<131072x128xf32, #tpu.memory_space<hbm>> -> memref<128x128xf32, #tpu.memory_space<hbm>>
    tpu.enqueue_dma source(%arg11 : memref<128x128xf32, #tpu.memory_space<vmem>>) target(%dma_start3A_591 : memref<128x128xf32, #tpu.memory_space<hbm>>) target_semaphore(%arg23 : memref<!tpu.dma_semaphore, #tpu.memory_space<semaphore_mem>>)
    %dma_wait3A_592 = arith.constant 0 : i32
    %dma_wait3A_593 = tpu.memref_slice %arg4[%add3A_587, %dma_wait3A_592] : memref<131072x128xf32, #tpu.memory_space<hbm>> -> memref<128x128xf32, #tpu.memory_space<hbm>>
    %dma_wait3A_594 = arith.constant 0 : i32
    %dma_wait3A_595 = tpu.memref_slice %arg4[%add3A_587, %dma_wait3A_594] : memref<131072x128xf32, #tpu.memory_space<hbm>> -> memref<128x128xf32, #tpu.memory_space<hbm>>
    tpu.wait_dma2 semaphore(%arg23 : memref<!tpu.dma_semaphore, #tpu.memory_space<semaphore_mem>>) src(%arg11 : memref<128x128xf32, #tpu.memory_space<vmem>>) dst(%dma_wait3A_595 : memref<128x128xf32, #tpu.memory_space<hbm>>)
    %dma_start3A_596 = arith.constant 28 : i32
    %dma_start3A_597 = arith.constant 0 : i32
    %dma_start3A_598 = tpu.memref_slice %arg6[%dma_start3A_596, %dma_start3A_597] : memref<32x128xi32, #tpu.memory_space<vmem>> -> memref<1x128xi32, #tpu.memory_space<vmem>>
    %dma_start3A_599 = tpu.memref_squeeze %dma_start3A_598 : memref<1x128xi32, #tpu.memory_space<vmem>> -> memref<128xi32, #tpu.memory_space<vmem>>
    %dma_start3A_600 = arith.constant 0 : i32
    %dma_start3A_601 = arith.constant 0 : i32
    %dma_start3A_602 = tpu.memref_slice %arg3[%dma_start3A_600, %dma_start3A_601] : memref<520x128xf32, #tpu.memory_space<hbm>> -> memref<520x128xf32, #tpu.memory_space<hbm>>
    tpu.enqueue_indirect_dma source(%dma_start3A_602 : memref<520x128xf32, #tpu.memory_space<hbm>>) target(%arg11 : memref<128x128xf32, #tpu.memory_space<vmem>>) offsets(%dma_start3A_599 : memref<128xi32, #tpu.memory_space<vmem>>) semaphore(%arg17 : memref<!tpu.dma_semaphore, #tpu.memory_space<semaphore_mem>>)
    %dma_wait3A_603 = arith.constant 23 : i32
    %dma_wait3A_604 = arith.constant 0 : i32
    %dma_wait3A_605 = tpu.memref_slice %arg6[%dma_wait3A_603, %dma_wait3A_604] : memref<32x128xi32, #tpu.memory_space<vmem>> -> memref<1x128xi32, #tpu.memory_space<vmem>>
    %dma_wait3A_606 = tpu.memref_squeeze %dma_wait3A_605 : memref<1x128xi32, #tpu.memory_space<vmem>> -> memref<128xi32, #tpu.memory_space<vmem>>
    %dma_wait3A_607 = arith.constant 0 : i32
    %dma_wait3A_608 = arith.constant 0 : i32
    %dma_wait3A_609 = tpu.memref_slice %arg3[%dma_wait3A_607, %dma_wait3A_608] : memref<520x128xf32, #tpu.memory_space<hbm>> -> memref<520x128xf32, #tpu.memory_space<hbm>>
    tpu.wait_indirect_dma semaphore(%arg18 : memref<!tpu.dma_semaphore, #tpu.memory_space<semaphore_mem>>) src(%dma_wait3A_609 : memref<520x128xf32, #tpu.memory_space<hbm>>) dst(%arg12 : memref<128x128xf32, #tpu.memory_space<vmem>>)
    %add3A_610 = arith.constant 2944 : i32
    %add3A_611 = arith.addi %mul3A_2, %add3A_610 : i32
    %dma_start3A_612 = arith.constant 0 : i32
    %dma_start3A_613 = tpu.memref_slice %arg4[%add3A_611, %dma_start3A_612] : memref<131072x128xf32, #tpu.memory_space<hbm>> -> memref<128x128xf32, #tpu.memory_space<hbm>>
    %dma_start3A_614 = arith.constant 0 : i32
    %dma_start3A_615 = tpu.memref_slice %arg4[%add3A_611, %dma_start3A_614] : memref<131072x128xf32, #tpu.memory_space<hbm>> -> memref<128x128xf32, #tpu.memory_space<hbm>>
    tpu.enqueue_dma source(%arg12 : memref<128x128xf32, #tpu.memory_space<vmem>>) target(%dma_start3A_615 : memref<128x128xf32, #tpu.memory_space<hbm>>) target_semaphore(%arg24 : memref<!tpu.dma_semaphore, #tpu.memory_space<semaphore_mem>>)
    %dma_wait3A_616 = arith.constant 0 : i32
    %dma_wait3A_617 = tpu.memref_slice %arg4[%add3A_611, %dma_wait3A_616] : memref<131072x128xf32, #tpu.memory_space<hbm>> -> memref<128x128xf32, #tpu.memory_space<hbm>>
    %dma_wait3A_618 = arith.constant 0 : i32
    %dma_wait3A_619 = tpu.memref_slice %arg4[%add3A_611, %dma_wait3A_618] : memref<131072x128xf32, #tpu.memory_space<hbm>> -> memref<128x128xf32, #tpu.memory_space<hbm>>
    tpu.wait_dma2 semaphore(%arg24 : memref<!tpu.dma_semaphore, #tpu.memory_space<semaphore_mem>>) src(%arg12 : memref<128x128xf32, #tpu.memory_space<vmem>>) dst(%dma_wait3A_619 : memref<128x128xf32, #tpu.memory_space<hbm>>)
    %dma_start3A_620 = arith.constant 29 : i32
    %dma_start3A_621 = arith.constant 0 : i32
    %dma_start3A_622 = tpu.memref_slice %arg6[%dma_start3A_620, %dma_start3A_621] : memref<32x128xi32, #tpu.memory_space<vmem>> -> memref<1x128xi32, #tpu.memory_space<vmem>>
    %dma_start3A_623 = tpu.memref_squeeze %dma_start3A_622 : memref<1x128xi32, #tpu.memory_space<vmem>> -> memref<128xi32, #tpu.memory_space<vmem>>
    %dma_start3A_624 = arith.constant 0 : i32
    %dma_start3A_625 = arith.constant 0 : i32
    %dma_start3A_626 = tpu.memref_slice %arg3[%dma_start3A_624, %dma_start3A_625] : memref<520x128xf32, #tpu.memory_space<hbm>> -> memref<520x128xf32, #tpu.memory_space<hbm>>
    tpu.enqueue_indirect_dma source(%dma_start3A_626 : memref<520x128xf32, #tpu.memory_space<hbm>>) target(%arg12 : memref<128x128xf32, #tpu.memory_space<vmem>>) offsets(%dma_start3A_623 : memref<128xi32, #tpu.memory_space<vmem>>) semaphore(%arg18 : memref<!tpu.dma_semaphore, #tpu.memory_space<semaphore_mem>>)
    %dma_wait3A_627 = arith.constant 24 : i32
    %dma_wait3A_628 = arith.constant 0 : i32
    %dma_wait3A_629 = tpu.memref_slice %arg6[%dma_wait3A_627, %dma_wait3A_628] : memref<32x128xi32, #tpu.memory_space<vmem>> -> memref<1x128xi32, #tpu.memory_space<vmem>>
    %dma_wait3A_630 = tpu.memref_squeeze %dma_wait3A_629 : memref<1x128xi32, #tpu.memory_space<vmem>> -> memref<128xi32, #tpu.memory_space<vmem>>
    %dma_wait3A_631 = arith.constant 0 : i32
    %dma_wait3A_632 = arith.constant 0 : i32
    %dma_wait3A_633 = tpu.memref_slice %arg3[%dma_wait3A_631, %dma_wait3A_632] : memref<520x128xf32, #tpu.memory_space<hbm>> -> memref<520x128xf32, #tpu.memory_space<hbm>>
    tpu.wait_indirect_dma semaphore(%arg13 : memref<!tpu.dma_semaphore, #tpu.memory_space<semaphore_mem>>) src(%dma_wait3A_633 : memref<520x128xf32, #tpu.memory_space<hbm>>) dst(%arg7 : memref<128x128xf32, #tpu.memory_space<vmem>>)
    %add3A_634 = arith.constant 3072 : i32
    %add3A_635 = arith.addi %mul3A_2, %add3A_634 : i32
    %dma_start3A_636 = arith.constant 0 : i32
    %dma_start3A_637 = tpu.memref_slice %arg4[%add3A_635, %dma_start3A_636] : memref<131072x128xf32, #tpu.memory_space<hbm>> -> memref<128x128xf32, #tpu.memory_space<hbm>>
    %dma_start3A_638 = arith.constant 0 : i32
    %dma_start3A_639 = tpu.memref_slice %arg4[%add3A_635, %dma_start3A_638] : memref<131072x128xf32, #tpu.memory_space<hbm>> -> memref<128x128xf32, #tpu.memory_space<hbm>>
    tpu.enqueue_dma source(%arg7 : memref<128x128xf32, #tpu.memory_space<vmem>>) target(%dma_start3A_639 : memref<128x128xf32, #tpu.memory_space<hbm>>) target_semaphore(%arg19 : memref<!tpu.dma_semaphore, #tpu.memory_space<semaphore_mem>>)
    %dma_wait3A_640 = arith.constant 0 : i32
    %dma_wait3A_641 = tpu.memref_slice %arg4[%add3A_635, %dma_wait3A_640] : memref<131072x128xf32, #tpu.memory_space<hbm>> -> memref<128x128xf32, #tpu.memory_space<hbm>>
    %dma_wait3A_642 = arith.constant 0 : i32
    %dma_wait3A_643 = tpu.memref_slice %arg4[%add3A_635, %dma_wait3A_642] : memref<131072x128xf32, #tpu.memory_space<hbm>> -> memref<128x128xf32, #tpu.memory_space<hbm>>
    tpu.wait_dma2 semaphore(%arg19 : memref<!tpu.dma_semaphore, #tpu.memory_space<semaphore_mem>>) src(%arg7 : memref<128x128xf32, #tpu.memory_space<vmem>>) dst(%dma_wait3A_643 : memref<128x128xf32, #tpu.memory_space<hbm>>)
    %dma_start3A_644 = arith.constant 30 : i32
    %dma_start3A_645 = arith.constant 0 : i32
    %dma_start3A_646 = tpu.memref_slice %arg6[%dma_start3A_644, %dma_start3A_645] : memref<32x128xi32, #tpu.memory_space<vmem>> -> memref<1x128xi32, #tpu.memory_space<vmem>>
    %dma_start3A_647 = tpu.memref_squeeze %dma_start3A_646 : memref<1x128xi32, #tpu.memory_space<vmem>> -> memref<128xi32, #tpu.memory_space<vmem>>
    %dma_start3A_648 = arith.constant 0 : i32
    %dma_start3A_649 = arith.constant 0 : i32
    %dma_start3A_650 = tpu.memref_slice %arg3[%dma_start3A_648, %dma_start3A_649] : memref<520x128xf32, #tpu.memory_space<hbm>> -> memref<520x128xf32, #tpu.memory_space<hbm>>
    tpu.enqueue_indirect_dma source(%dma_start3A_650 : memref<520x128xf32, #tpu.memory_space<hbm>>) target(%arg7 : memref<128x128xf32, #tpu.memory_space<vmem>>) offsets(%dma_start3A_647 : memref<128xi32, #tpu.memory_space<vmem>>) semaphore(%arg13 : memref<!tpu.dma_semaphore, #tpu.memory_space<semaphore_mem>>)
    %dma_wait3A_651 = arith.constant 25 : i32
    %dma_wait3A_652 = arith.constant 0 : i32
    %dma_wait3A_653 = tpu.memref_slice %arg6[%dma_wait3A_651, %dma_wait3A_652] : memref<32x128xi32, #tpu.memory_space<vmem>> -> memref<1x128xi32, #tpu.memory_space<vmem>>
    %dma_wait3A_654 = tpu.memref_squeeze %dma_wait3A_653 : memref<1x128xi32, #tpu.memory_space<vmem>> -> memref<128xi32, #tpu.memory_space<vmem>>
    %dma_wait3A_655 = arith.constant 0 : i32
    %dma_wait3A_656 = arith.constant 0 : i32
    %dma_wait3A_657 = tpu.memref_slice %arg3[%dma_wait3A_655, %dma_wait3A_656] : memref<520x128xf32, #tpu.memory_space<hbm>> -> memref<520x128xf32, #tpu.memory_space<hbm>>
    tpu.wait_indirect_dma semaphore(%arg14 : memref<!tpu.dma_semaphore, #tpu.memory_space<semaphore_mem>>) src(%dma_wait3A_657 : memref<520x128xf32, #tpu.memory_space<hbm>>) dst(%arg8 : memref<128x128xf32, #tpu.memory_space<vmem>>)
    %add3A_658 = arith.constant 3200 : i32
    %add3A_659 = arith.addi %mul3A_2, %add3A_658 : i32
    %dma_start3A_660 = arith.constant 0 : i32
    %dma_start3A_661 = tpu.memref_slice %arg4[%add3A_659, %dma_start3A_660] : memref<131072x128xf32, #tpu.memory_space<hbm>> -> memref<128x128xf32, #tpu.memory_space<hbm>>
    %dma_start3A_662 = arith.constant 0 : i32
    %dma_start3A_663 = tpu.memref_slice %arg4[%add3A_659, %dma_start3A_662] : memref<131072x128xf32, #tpu.memory_space<hbm>> -> memref<128x128xf32, #tpu.memory_space<hbm>>
    tpu.enqueue_dma source(%arg8 : memref<128x128xf32, #tpu.memory_space<vmem>>) target(%dma_start3A_663 : memref<128x128xf32, #tpu.memory_space<hbm>>) target_semaphore(%arg20 : memref<!tpu.dma_semaphore, #tpu.memory_space<semaphore_mem>>)
    %dma_wait3A_664 = arith.constant 0 : i32
    %dma_wait3A_665 = tpu.memref_slice %arg4[%add3A_659, %dma_wait3A_664] : memref<131072x128xf32, #tpu.memory_space<hbm>> -> memref<128x128xf32, #tpu.memory_space<hbm>>
    %dma_wait3A_666 = arith.constant 0 : i32
    %dma_wait3A_667 = tpu.memref_slice %arg4[%add3A_659, %dma_wait3A_666] : memref<131072x128xf32, #tpu.memory_space<hbm>> -> memref<128x128xf32, #tpu.memory_space<hbm>>
    tpu.wait_dma2 semaphore(%arg20 : memref<!tpu.dma_semaphore, #tpu.memory_space<semaphore_mem>>) src(%arg8 : memref<128x128xf32, #tpu.memory_space<vmem>>) dst(%dma_wait3A_667 : memref<128x128xf32, #tpu.memory_space<hbm>>)
    %dma_start3A_668 = arith.constant 31 : i32
    %dma_start3A_669 = arith.constant 0 : i32
    %dma_start3A_670 = tpu.memref_slice %arg6[%dma_start3A_668, %dma_start3A_669] : memref<32x128xi32, #tpu.memory_space<vmem>> -> memref<1x128xi32, #tpu.memory_space<vmem>>
    %dma_start3A_671 = tpu.memref_squeeze %dma_start3A_670 : memref<1x128xi32, #tpu.memory_space<vmem>> -> memref<128xi32, #tpu.memory_space<vmem>>
    %dma_start3A_672 = arith.constant 0 : i32
    %dma_start3A_673 = arith.constant 0 : i32
    %dma_start3A_674 = tpu.memref_slice %arg3[%dma_start3A_672, %dma_start3A_673] : memref<520x128xf32, #tpu.memory_space<hbm>> -> memref<520x128xf32, #tpu.memory_space<hbm>>
    tpu.enqueue_indirect_dma source(%dma_start3A_674 : memref<520x128xf32, #tpu.memory_space<hbm>>) target(%arg8 : memref<128x128xf32, #tpu.memory_space<vmem>>) offsets(%dma_start3A_671 : memref<128xi32, #tpu.memory_space<vmem>>) semaphore(%arg14 : memref<!tpu.dma_semaphore, #tpu.memory_space<semaphore_mem>>)
    %dma_wait3A_675 = arith.constant 26 : i32
    %dma_wait3A_676 = arith.constant 0 : i32
    %dma_wait3A_677 = tpu.memref_slice %arg6[%dma_wait3A_675, %dma_wait3A_676] : memref<32x128xi32, #tpu.memory_space<vmem>> -> memref<1x128xi32, #tpu.memory_space<vmem>>
    %dma_wait3A_678 = tpu.memref_squeeze %dma_wait3A_677 : memref<1x128xi32, #tpu.memory_space<vmem>> -> memref<128xi32, #tpu.memory_space<vmem>>
    %dma_wait3A_679 = arith.constant 0 : i32
    %dma_wait3A_680 = arith.constant 0 : i32
    %dma_wait3A_681 = tpu.memref_slice %arg3[%dma_wait3A_679, %dma_wait3A_680] : memref<520x128xf32, #tpu.memory_space<hbm>> -> memref<520x128xf32, #tpu.memory_space<hbm>>
    tpu.wait_indirect_dma semaphore(%arg15 : memref<!tpu.dma_semaphore, #tpu.memory_space<semaphore_mem>>) src(%dma_wait3A_681 : memref<520x128xf32, #tpu.memory_space<hbm>>) dst(%arg9 : memref<128x128xf32, #tpu.memory_space<vmem>>)
    %add3A_682 = arith.constant 3328 : i32
    %add3A_683 = arith.addi %mul3A_2, %add3A_682 : i32
    %dma_start3A_684 = arith.constant 0 : i32
    %dma_start3A_685 = tpu.memref_slice %arg4[%add3A_683, %dma_start3A_684] : memref<131072x128xf32, #tpu.memory_space<hbm>> -> memref<128x128xf32, #tpu.memory_space<hbm>>
    %dma_start3A_686 = arith.constant 0 : i32
    %dma_start3A_687 = tpu.memref_slice %arg4[%add3A_683, %dma_start3A_686] : memref<131072x128xf32, #tpu.memory_space<hbm>> -> memref<128x128xf32, #tpu.memory_space<hbm>>
    tpu.enqueue_dma source(%arg9 : memref<128x128xf32, #tpu.memory_space<vmem>>) target(%dma_start3A_687 : memref<128x128xf32, #tpu.memory_space<hbm>>) target_semaphore(%arg21 : memref<!tpu.dma_semaphore, #tpu.memory_space<semaphore_mem>>)
    %dma_wait3A_688 = arith.constant 27 : i32
    %dma_wait3A_689 = arith.constant 0 : i32
    %dma_wait3A_690 = tpu.memref_slice %arg6[%dma_wait3A_688, %dma_wait3A_689] : memref<32x128xi32, #tpu.memory_space<vmem>> -> memref<1x128xi32, #tpu.memory_space<vmem>>
    %dma_wait3A_691 = tpu.memref_squeeze %dma_wait3A_690 : memref<1x128xi32, #tpu.memory_space<vmem>> -> memref<128xi32, #tpu.memory_space<vmem>>
    %dma_wait3A_692 = arith.constant 0 : i32
    %dma_wait3A_693 = arith.constant 0 : i32
    %dma_wait3A_694 = tpu.memref_slice %arg3[%dma_wait3A_692, %dma_wait3A_693] : memref<520x128xf32, #tpu.memory_space<hbm>> -> memref<520x128xf32, #tpu.memory_space<hbm>>
    tpu.wait_indirect_dma semaphore(%arg16 : memref<!tpu.dma_semaphore, #tpu.memory_space<semaphore_mem>>) src(%dma_wait3A_694 : memref<520x128xf32, #tpu.memory_space<hbm>>) dst(%arg10 : memref<128x128xf32, #tpu.memory_space<vmem>>)
    %add3A_695 = arith.constant 3456 : i32
    %add3A_696 = arith.addi %mul3A_2, %add3A_695 : i32
    %dma_start3A_697 = arith.constant 0 : i32
    %dma_start3A_698 = tpu.memref_slice %arg4[%add3A_696, %dma_start3A_697] : memref<131072x128xf32, #tpu.memory_space<hbm>> -> memref<128x128xf32, #tpu.memory_space<hbm>>
    %dma_start3A_699 = arith.constant 0 : i32
    %dma_start3A_700 = tpu.memref_slice %arg4[%add3A_696, %dma_start3A_699] : memref<131072x128xf32, #tpu.memory_space<hbm>> -> memref<128x128xf32, #tpu.memory_space<hbm>>
    tpu.enqueue_dma source(%arg10 : memref<128x128xf32, #tpu.memory_space<vmem>>) target(%dma_start3A_700 : memref<128x128xf32, #tpu.memory_space<hbm>>) target_semaphore(%arg22 : memref<!tpu.dma_semaphore, #tpu.memory_space<semaphore_mem>>)
    %dma_wait3A_701 = arith.constant 28 : i32
    %dma_wait3A_702 = arith.constant 0 : i32
    %dma_wait3A_703 = tpu.memref_slice %arg6[%dma_wait3A_701, %dma_wait3A_702] : memref<32x128xi32, #tpu.memory_space<vmem>> -> memref<1x128xi32, #tpu.memory_space<vmem>>
    %dma_wait3A_704 = tpu.memref_squeeze %dma_wait3A_703 : memref<1x128xi32, #tpu.memory_space<vmem>> -> memref<128xi32, #tpu.memory_space<vmem>>
    %dma_wait3A_705 = arith.constant 0 : i32
    %dma_wait3A_706 = arith.constant 0 : i32
    %dma_wait3A_707 = tpu.memref_slice %arg3[%dma_wait3A_705, %dma_wait3A_706] : memref<520x128xf32, #tpu.memory_space<hbm>> -> memref<520x128xf32, #tpu.memory_space<hbm>>
    tpu.wait_indirect_dma semaphore(%arg17 : memref<!tpu.dma_semaphore, #tpu.memory_space<semaphore_mem>>) src(%dma_wait3A_707 : memref<520x128xf32, #tpu.memory_space<hbm>>) dst(%arg11 : memref<128x128xf32, #tpu.memory_space<vmem>>)
    %add3A_708 = arith.constant 3584 : i32
    %add3A_709 = arith.addi %mul3A_2, %add3A_708 : i32
    %dma_start3A_710 = arith.constant 0 : i32
    %dma_start3A_711 = tpu.memref_slice %arg4[%add3A_709, %dma_start3A_710] : memref<131072x128xf32, #tpu.memory_space<hbm>> -> memref<128x128xf32, #tpu.memory_space<hbm>>
    %dma_start3A_712 = arith.constant 0 : i32
    %dma_start3A_713 = tpu.memref_slice %arg4[%add3A_709, %dma_start3A_712] : memref<131072x128xf32, #tpu.memory_space<hbm>> -> memref<128x128xf32, #tpu.memory_space<hbm>>
    tpu.enqueue_dma source(%arg11 : memref<128x128xf32, #tpu.memory_space<vmem>>) target(%dma_start3A_713 : memref<128x128xf32, #tpu.memory_space<hbm>>) target_semaphore(%arg23 : memref<!tpu.dma_semaphore, #tpu.memory_space<semaphore_mem>>)
    %dma_wait3A_714 = arith.constant 29 : i32
    %dma_wait3A_715 = arith.constant 0 : i32
    %dma_wait3A_716 = tpu.memref_slice %arg6[%dma_wait3A_714, %dma_wait3A_715] : memref<32x128xi32, #tpu.memory_space<vmem>> -> memref<1x128xi32, #tpu.memory_space<vmem>>
    %dma_wait3A_717 = tpu.memref_squeeze %dma_wait3A_716 : memref<1x128xi32, #tpu.memory_space<vmem>> -> memref<128xi32, #tpu.memory_space<vmem>>
    %dma_wait3A_718 = arith.constant 0 : i32
    %dma_wait3A_719 = arith.constant 0 : i32
    %dma_wait3A_720 = tpu.memref_slice %arg3[%dma_wait3A_718, %dma_wait3A_719] : memref<520x128xf32, #tpu.memory_space<hbm>> -> memref<520x128xf32, #tpu.memory_space<hbm>>
    tpu.wait_indirect_dma semaphore(%arg18 : memref<!tpu.dma_semaphore, #tpu.memory_space<semaphore_mem>>) src(%dma_wait3A_720 : memref<520x128xf32, #tpu.memory_space<hbm>>) dst(%arg12 : memref<128x128xf32, #tpu.memory_space<vmem>>)
    %add3A_721 = arith.constant 3712 : i32
    %add3A_722 = arith.addi %mul3A_2, %add3A_721 : i32
    %dma_start3A_723 = arith.constant 0 : i32
    %dma_start3A_724 = tpu.memref_slice %arg4[%add3A_722, %dma_start3A_723] : memref<131072x128xf32, #tpu.memory_space<hbm>> -> memref<128x128xf32, #tpu.memory_space<hbm>>
    %dma_start3A_725 = arith.constant 0 : i32
    %dma_start3A_726 = tpu.memref_slice %arg4[%add3A_722, %dma_start3A_725] : memref<131072x128xf32, #tpu.memory_space<hbm>> -> memref<128x128xf32, #tpu.memory_space<hbm>>
    tpu.enqueue_dma source(%arg12 : memref<128x128xf32, #tpu.memory_space<vmem>>) target(%dma_start3A_726 : memref<128x128xf32, #tpu.memory_space<hbm>>) target_semaphore(%arg24 : memref<!tpu.dma_semaphore, #tpu.memory_space<semaphore_mem>>)
    %dma_wait3A_727 = arith.constant 30 : i32
    %dma_wait3A_728 = arith.constant 0 : i32
    %dma_wait3A_729 = tpu.memref_slice %arg6[%dma_wait3A_727, %dma_wait3A_728] : memref<32x128xi32, #tpu.memory_space<vmem>> -> memref<1x128xi32, #tpu.memory_space<vmem>>
    %dma_wait3A_730 = tpu.memref_squeeze %dma_wait3A_729 : memref<1x128xi32, #tpu.memory_space<vmem>> -> memref<128xi32, #tpu.memory_space<vmem>>
    %dma_wait3A_731 = arith.constant 0 : i32
    %dma_wait3A_732 = arith.constant 0 : i32
    %dma_wait3A_733 = tpu.memref_slice %arg3[%dma_wait3A_731, %dma_wait3A_732] : memref<520x128xf32, #tpu.memory_space<hbm>> -> memref<520x128xf32, #tpu.memory_space<hbm>>
    tpu.wait_indirect_dma semaphore(%arg13 : memref<!tpu.dma_semaphore, #tpu.memory_space<semaphore_mem>>) src(%dma_wait3A_733 : memref<520x128xf32, #tpu.memory_space<hbm>>) dst(%arg7 : memref<128x128xf32, #tpu.memory_space<vmem>>)
    %add3A_734 = arith.constant 3840 : i32
    %add3A_735 = arith.addi %mul3A_2, %add3A_734 : i32
    %dma_start3A_736 = arith.constant 0 : i32
    %dma_start3A_737 = tpu.memref_slice %arg4[%add3A_735, %dma_start3A_736] : memref<131072x128xf32, #tpu.memory_space<hbm>> -> memref<128x128xf32, #tpu.memory_space<hbm>>
    %dma_start3A_738 = arith.constant 0 : i32
    %dma_start3A_739 = tpu.memref_slice %arg4[%add3A_735, %dma_start3A_738] : memref<131072x128xf32, #tpu.memory_space<hbm>> -> memref<128x128xf32, #tpu.memory_space<hbm>>
    tpu.enqueue_dma source(%arg7 : memref<128x128xf32, #tpu.memory_space<vmem>>) target(%dma_start3A_739 : memref<128x128xf32, #tpu.memory_space<hbm>>) target_semaphore(%arg19 : memref<!tpu.dma_semaphore, #tpu.memory_space<semaphore_mem>>)
    %dma_wait3A_740 = arith.constant 31 : i32
    %dma_wait3A_741 = arith.constant 0 : i32
    %dma_wait3A_742 = tpu.memref_slice %arg6[%dma_wait3A_740, %dma_wait3A_741] : memref<32x128xi32, #tpu.memory_space<vmem>> -> memref<1x128xi32, #tpu.memory_space<vmem>>
    %dma_wait3A_743 = tpu.memref_squeeze %dma_wait3A_742 : memref<1x128xi32, #tpu.memory_space<vmem>> -> memref<128xi32, #tpu.memory_space<vmem>>
    %dma_wait3A_744 = arith.constant 0 : i32
    %dma_wait3A_745 = arith.constant 0 : i32
    %dma_wait3A_746 = tpu.memref_slice %arg3[%dma_wait3A_744, %dma_wait3A_745] : memref<520x128xf32, #tpu.memory_space<hbm>> -> memref<520x128xf32, #tpu.memory_space<hbm>>
    tpu.wait_indirect_dma semaphore(%arg14 : memref<!tpu.dma_semaphore, #tpu.memory_space<semaphore_mem>>) src(%dma_wait3A_746 : memref<520x128xf32, #tpu.memory_space<hbm>>) dst(%arg8 : memref<128x128xf32, #tpu.memory_space<vmem>>)
    %add3A_747 = arith.constant 3968 : i32
    %add3A_748 = arith.addi %mul3A_2, %add3A_747 : i32
    %dma_start3A_749 = arith.constant 0 : i32
    %dma_start3A_750 = tpu.memref_slice %arg4[%add3A_748, %dma_start3A_749] : memref<131072x128xf32, #tpu.memory_space<hbm>> -> memref<128x128xf32, #tpu.memory_space<hbm>>
    %dma_start3A_751 = arith.constant 0 : i32
    %dma_start3A_752 = tpu.memref_slice %arg4[%add3A_748, %dma_start3A_751] : memref<131072x128xf32, #tpu.memory_space<hbm>> -> memref<128x128xf32, #tpu.memory_space<hbm>>
    tpu.enqueue_dma source(%arg8 : memref<128x128xf32, #tpu.memory_space<vmem>>) target(%dma_start3A_752 : memref<128x128xf32, #tpu.memory_space<hbm>>) target_semaphore(%arg20 : memref<!tpu.dma_semaphore, #tpu.memory_space<semaphore_mem>>)
    %dma_wait3A_753 = arith.constant 0 : i32
    %dma_wait3A_754 = tpu.memref_slice %arg4[%add3A_735, %dma_wait3A_753] : memref<131072x128xf32, #tpu.memory_space<hbm>> -> memref<128x128xf32, #tpu.memory_space<hbm>>
    %dma_wait3A_755 = arith.constant 0 : i32
    %dma_wait3A_756 = tpu.memref_slice %arg4[%add3A_735, %dma_wait3A_755] : memref<131072x128xf32, #tpu.memory_space<hbm>> -> memref<128x128xf32, #tpu.memory_space<hbm>>
    tpu.wait_dma2 semaphore(%arg19 : memref<!tpu.dma_semaphore, #tpu.memory_space<semaphore_mem>>) src(%arg7 : memref<128x128xf32, #tpu.memory_space<vmem>>) dst(%dma_wait3A_756 : memref<128x128xf32, #tpu.memory_space<hbm>>)
    %dma_wait3A_757 = arith.constant 0 : i32
    %dma_wait3A_758 = tpu.memref_slice %arg4[%add3A_748, %dma_wait3A_757] : memref<131072x128xf32, #tpu.memory_space<hbm>> -> memref<128x128xf32, #tpu.memory_space<hbm>>
    %dma_wait3A_759 = arith.constant 0 : i32
    %dma_wait3A_760 = tpu.memref_slice %arg4[%add3A_748, %dma_wait3A_759] : memref<131072x128xf32, #tpu.memory_space<hbm>> -> memref<128x128xf32, #tpu.memory_space<hbm>>
    tpu.wait_dma2 semaphore(%arg20 : memref<!tpu.dma_semaphore, #tpu.memory_space<semaphore_mem>>) src(%arg8 : memref<128x128xf32, #tpu.memory_space<vmem>>) dst(%dma_wait3A_760 : memref<128x128xf32, #tpu.memory_space<hbm>>)
    %dma_wait3A_761 = arith.constant 0 : i32
    %dma_wait3A_762 = tpu.memref_slice %arg4[%add3A_683, %dma_wait3A_761] : memref<131072x128xf32, #tpu.memory_space<hbm>> -> memref<128x128xf32, #tpu.memory_space<hbm>>
    %dma_wait3A_763 = arith.constant 0 : i32
    %dma_wait3A_764 = tpu.memref_slice %arg4[%add3A_683, %dma_wait3A_763] : memref<131072x128xf32, #tpu.memory_space<hbm>> -> memref<128x128xf32, #tpu.memory_space<hbm>>
    tpu.wait_dma2 semaphore(%arg21 : memref<!tpu.dma_semaphore, #tpu.memory_space<semaphore_mem>>) src(%arg9 : memref<128x128xf32, #tpu.memory_space<vmem>>) dst(%dma_wait3A_764 : memref<128x128xf32, #tpu.memory_space<hbm>>)
    %dma_wait3A_765 = arith.constant 0 : i32
    %dma_wait3A_766 = tpu.memref_slice %arg4[%add3A_696, %dma_wait3A_765] : memref<131072x128xf32, #tpu.memory_space<hbm>> -> memref<128x128xf32, #tpu.memory_space<hbm>>
    %dma_wait3A_767 = arith.constant 0 : i32
    %dma_wait3A_768 = tpu.memref_slice %arg4[%add3A_696, %dma_wait3A_767] : memref<131072x128xf32, #tpu.memory_space<hbm>> -> memref<128x128xf32, #tpu.memory_space<hbm>>
    tpu.wait_dma2 semaphore(%arg22 : memref<!tpu.dma_semaphore, #tpu.memory_space<semaphore_mem>>) src(%arg10 : memref<128x128xf32, #tpu.memory_space<vmem>>) dst(%dma_wait3A_768 : memref<128x128xf32, #tpu.memory_space<hbm>>)
    %dma_wait3A_769 = arith.constant 0 : i32
    %dma_wait3A_770 = tpu.memref_slice %arg4[%add3A_709, %dma_wait3A_769] : memref<131072x128xf32, #tpu.memory_space<hbm>> -> memref<128x128xf32, #tpu.memory_space<hbm>>
    %dma_wait3A_771 = arith.constant 0 : i32
    %dma_wait3A_772 = tpu.memref_slice %arg4[%add3A_709, %dma_wait3A_771] : memref<131072x128xf32, #tpu.memory_space<hbm>> -> memref<128x128xf32, #tpu.memory_space<hbm>>
    tpu.wait_dma2 semaphore(%arg23 : memref<!tpu.dma_semaphore, #tpu.memory_space<semaphore_mem>>) src(%arg11 : memref<128x128xf32, #tpu.memory_space<vmem>>) dst(%dma_wait3A_772 : memref<128x128xf32, #tpu.memory_space<hbm>>)
    %dma_wait3A_773 = arith.constant 0 : i32
    %dma_wait3A_774 = tpu.memref_slice %arg4[%add3A_722, %dma_wait3A_773] : memref<131072x128xf32, #tpu.memory_space<hbm>> -> memref<128x128xf32, #tpu.memory_space<hbm>>
    %dma_wait3A_775 = arith.constant 0 : i32
    %dma_wait3A_776 = tpu.memref_slice %arg4[%add3A_722, %dma_wait3A_775] : memref<131072x128xf32, #tpu.memory_space<hbm>> -> memref<128x128xf32, #tpu.memory_space<hbm>>
    tpu.wait_dma2 semaphore(%arg24 : memref<!tpu.dma_semaphore, #tpu.memory_space<semaphore_mem>>) src(%arg12 : memref<128x128xf32, #tpu.memory_space<vmem>>) dst(%dma_wait3A_776 : memref<128x128xf32, #tpu.memory_space<hbm>>)
    return
  }
}

module attributes {stable_mosaic.version = 14 : i64} {
  func.func @_fused_table_tc(%arg0: memref<65x32xf32, #tpu.memory_space<vmem>>, %arg1: memref<8x32xf32, #tpu.memory_space<vmem>>, %arg2: memref<32x128xf32, #tpu.memory_space<vmem>>, %arg3: memref<128xf32, #tpu.memory_space<vmem>>, %arg4: memref<65x8x128xf32, #tpu.memory_space<vmem>>) attributes {dimension_semantics = [], scalar_prefetch = 0 : i64, scratch_operands = 0 : i64, tpu.core_type = #tpu.core_type<tc>} {
    %get3A = arith.constant 0 : index
    %get3A_0 = arith.constant 0 : index
    %get3A_1 = vector.load %arg0[%get3A, %get3A_0] : memref<65x32xf32, #tpu.memory_space<vmem>>, vector<65x32xf32>
    %get3A_2 = arith.constant 0 : index
    %get3A_3 = arith.constant 0 : index
    %get3A_4 = vector.load %arg2[%get3A_2, %get3A_3] : memref<32x128xf32, #tpu.memory_space<vmem>>, vector<32x128xf32>
    %dot_general3A = arith.constant dense<0.000000e+00> : vector<65x128xf32>
    %dot_general3A_5 = tpu.matmul %get3A_1, %get3A_4, %dot_general3A {dimension_numbers = #tpu.dot_dimension_numbers<[1], [0], [0], [1], [0, 0, 1, 1], [], []>, transpose_lhs_hint = false} : vector<65x32xf32>, vector<32x128xf32>, vector<65x128xf32> -> vector<65x128xf32>
    %get3A_6 = arith.constant 0 : index
    %get3A_7 = arith.constant 0 : index
    %get3A_8 = vector.load %arg1[%get3A_6, %get3A_7] : memref<8x32xf32, #tpu.memory_space<vmem>>, vector<8x32xf32>
    %get3A_9 = arith.constant 0 : index
    %get3A_10 = arith.constant 0 : index
    %get3A_11 = vector.load %arg2[%get3A_9, %get3A_10] : memref<32x128xf32, #tpu.memory_space<vmem>>, vector<32x128xf32>
    %dot_general3A_12 = arith.constant dense<0.000000e+00> : vector<8x128xf32>
    %dot_general3A_13 = tpu.matmul %get3A_8, %get3A_11, %dot_general3A_12 {dimension_numbers = #tpu.dot_dimension_numbers<[1], [0], [0], [1], [0, 0, 1, 1], [], []>, transpose_lhs_hint = false} : vector<8x32xf32>, vector<32x128xf32>, vector<8x128xf32> -> vector<8x128xf32>
    %get3A_14 = arith.constant 0 : index
    %get3A_15 = vector.load %arg3[%get3A_14] : memref<128xf32, #tpu.memory_space<vmem>>, vector<128xf32>
    %broadcast_in_dim3A = vector.shape_cast %get3A_15 : vector<128xf32> to vector<1x128xf32>
    %add3A = vector.broadcast %broadcast_in_dim3A : vector<1x128xf32> to vector<8x128xf32>
    %add3A_16 = arith.addf %dot_general3A_13, %add3A : vector<8x128xf32>
    %broadcast_in_dim3A_17 = vector.shape_cast %dot_general3A_5 : vector<65x128xf32> to vector<65x1x128xf32>
    %broadcast_in_dim3A_18 = vector.shape_cast %add3A_16 : vector<8x128xf32> to vector<1x8x128xf32>
    %add3A_19 = vector.broadcast %broadcast_in_dim3A_17 : vector<65x1x128xf32> to vector<65x8x128xf32>
    %add3A_20 = vector.broadcast %broadcast_in_dim3A_18 : vector<1x8x128xf32> to vector<65x8x128xf32>
    %add3A_21 = arith.addf %add3A_19, %add3A_20 : vector<65x8x128xf32>
    %swap3A = arith.constant 0 : index
    %swap3A_22 = arith.constant 0 : index
    %swap3A_23 = arith.constant 0 : index
    %swap3A_24 = vector.load %arg4[%swap3A, %swap3A_22, %swap3A_23] : memref<65x8x128xf32, #tpu.memory_space<vmem>>, vector<65x8x128xf32>
    tpu.vector_store %arg4[%swap3A, %swap3A_22, %swap3A_23], %add3A_21 {strides = array<i32>} : memref<65x8x128xf32, #tpu.memory_space<vmem>>, vector<65x8x128xf32>,
    return
  }
}

</mosaic_0001>

<sc_bundles>
// kernel: kernel.4.cloned.1.call-start
scs
__scs_entry_jumppad:
0x0: {  	(pc) =	sbr.rel $0x88, $3  }
0x1: {  	(tag) =	ssettag $0x0;
	lr =	simm.s32 $0x1  }
0x2: {  	[smem:$0x3F9C] =	sst lr;
	_ =	strace $0xD0000000  }
0x3: {  	_ = 	snop  }
0x4: {  	_ = 	snop  }
0x5: {  	_ = 	snop  }
0x6: {  	_ = 	snop  }
0x7: {  	_ = 	snop  }
__scs_overlays_trampoline_lowered:
0x8: {  	[smem:$0x3FAB] =	sst s0  }
0x9: {  	[smem:$0x3FAC] =	sst s1  }
0xa: {  	[smem:$0x3FAD] =	sst s2  }
0xb: {  	[smem:$0x3FAE] =	sst s3  }
0xc: {  	[smem:$0x3FAF] =	sst s4  }
0xd: {  	[smem:$0x3FB0] =	sst s5  }
0xe: {  	[smem:$0x3FB1] =	sst s6  }
0xf: {  	[smem:$0x3FB2] =	sst s7  }
0x10: {  	[smem:$0x3FB3] =	sst s8  }
0x11: {  	[smem:$0x3FB4] =	sst s9;
	s0 =	simm.s32 @!p0 $0x0  }
0x12: {  	s1 =	sld [smem:$0x3F9A];
	s0 =	simm.s32 @p0 $0x1  }
0x13: {  	[smem:$0x3FB5] =	sst s0;
	s0 =	simm.s32 @!p1 $0x0  }
0x14: {  	s2 =	sld [smem:$0x3F99];
	s0 =	simm.s32 @p1 $0x1  }
0x15: {  	[smem:$0x3FB6] =	sst s0;
	s0 =	simm.s32 @!p2 $0x0  }
0x16: {  	s3 =	sld [smem:$0x3FDB];
	s0 =	simm.s32 @p2 $0x1  }
0x17: {  	s4 =	simm.s32 $0x1BF5;
	[smem:$0x3FB8] =	sst s0  }
0x18: {  	s0 =	sld [smem:$0x3F9B];
	_ =	swait.ge [sflag:s4], $0x0  }
0x19: {  	s7 =	sld [smem:$0x3F9C]  }
0x1a: {  	s8 =	sadd.s32 $0xFFFFE003, lr  }
0x1b: {  	s9 =	sadd.s32 $0xFFFFFEF7, lr;
	s5 =	simm.s32 $0xFFFFFFFF;
	p2 =	slt.u32 s8, $0xFFFFF086  }
0x1c: {  	p1 =	slt.u32 s9, $0xF7A;
	s5 =	simm.s32 @!p2 $0x0  }
0x1d: {  	s5 =	simm.s32 @p1 $0x1;
	p0 =	seq.s32 s7, s2  }
0x1e: {  	s7 =	smul.u32 @!p0 $0xF7A, s2;
	p2 =	seq.s32 @!p0 s5, $0x0  }
0x1f: {  	s9 =	smul.u32 $0xF7A, s1;
	s8 =	simm.s32 @!p0 $0x1BF5;
	p2 =	por !p2, p0  }
0x20: {  	[sflag:s8] =	ssyncset.s32 @!p0 $0xFFFFF086;
	s6 =	sadd.s32 @!p0 s3, s7;
	s7 =	simm.s32 @!p0 $0x108  }
0x21: {  	s3 =	sadd.s32 s3, s9;
	s6 =	sadd.s32 @!p0 $0x88, s6;
	s7 =	simm.s32 @p2 $0x1082  }
0x22: {  	[simem:s7], [sflag:s8] =	dma.local @!p0 [hbm:s6], $0xF7A  }
0x23: {  	s9 =	sor.u32 $0xD0000000, s2;
	s6 =	simm.s32 $0x108;
	_ =	swait.ge @!p0 [sflag:s8], $0x0  }
0x24: {  	s3 =	sadd.s32 $0x88, s3;
	s6 =	simm.s32 @!p1 $0x1082;
	[sflag:s4] =	ssyncset.s32 $0xFFFFF086  }
0x25: {  	[simem:s6], [sflag:s4] =	dma.local [hbm:s3], $0xF7A  }
0x26: {  	[smem:$0x3F9C] =	sst s1;
	(tag) =	ssettag s2;
	_ =	strace s9  }
0x27: {  	s1 =	sld [smem:$0x3FAC]  }
0x28: {  	s2 =	sld [smem:$0x3FAD]  }
0x29: {  	s4 =	sld [smem:$0x3FAF]  }
0x2a: {  	p0 =	seq.s32 s5, $0x0;
	s5 =	sld [smem:$0x3FB0]  }
0x2b: {  	s6 =	sld [smem:$0x3FB1]  }
0x2c: {  	s7 =	sld [smem:$0x3FB2]  }
0x2d: {  	s3 =	simm.s32 $0x108;
	s8 =	sld [smem:$0x3FB3]  }
0x2e: {  	s3 =	simm.s32 @!p0 $0x1082;
	s9 =	sld [smem:$0x3FB4]  }
0x2f: {  	lr =	sadd.s32 s0, s3;
	s0 =	sld [smem:$0x3FAB]  }
0x30: {  	s3 =	sld [smem:$0x3FAE]  }
0x31: {  	[smem:$0x3FB7] =	sst s10  }
0x32: {  	s10 =	sld [smem:$0x3FB5];
	_ =	sdelay $0x3  }
0x33: {  	p0 =	seq.s32 s10, $0x1;
	s10 =	sld [smem:$0x3FB7];
	_ =	sdelay $0x3  }
0x34: {  	[smem:$0x3FB7] =	sst s10  }
0x35: {  	s10 =	sld [smem:$0x3FB6];
	_ =	sdelay $0x3  }
0x36: {  	p1 =	seq.s32 s10, $0x1;
	s10 =	sld [smem:$0x3FB7];
	_ =	sdelay $0x3  }
0x37: {  	[smem:$0x3FB7] =	sst s10  }
0x38: {  	s10 =	sld [smem:$0x3FB8]  }
0x39: {  	_ = 	snop;
	(pc) =	sbr.ind lr, $3  }
0x3a: {  	_ = 	snop  }
0x3b: {  	_ = 	snop  }
0x3c: {  	p2 =	seq.s32 s10, $0x1;
	s10 =	sld [smem:$0x3FB7]  }
0x3d: {  	_ =	shalt  }
0x3e: {  	_ =	shalt  }
0x3f: {  	_ =	shalt  }
0x40: {  	_ =	shalt  }
0x41: {  	_ =	shalt  }
0x42: {  	_ =	shalt  }
0x43: {  	_ =	shalt  }
0x44: {  	_ =	shalt  }
0x45: {  	_ =	shalt  }
0x46: {  	_ =	shalt  }
0x47: {  	_ =	shalt  }
0x48: {  	_ =	shalt  }
0x49: {  	_ =	shalt  }
0x4a: {  	_ =	shalt  }
0x4b: {  	_ =	shalt  }
0x4c: {  	_ =	shalt  }
0x4d: {  	_ =	shalt  }
0x4e: {  	_ =	shalt  }
0x4f: {  	_ =	shalt  }
0x50: {  	_ =	shalt  }
0x51: {  	_ =	shalt  }
0x52: {  	_ =	shalt  }
0x53: {  	_ =	shalt  }
0x54: {  	_ =	shalt  }
0x55: {  	_ =	shalt  }
0x56: {  	_ =	shalt  }
0x57: {  	_ =	shalt  }
0x58: {  	_ =	shalt  }
0x59: {  	_ =	shalt  }
0x5a: {  	_ =	shalt  }
0x5b: {  	_ =	shalt  }
0x5c: {  	_ =	shalt  }
0x5d: {  	_ =	shalt  }
0x5e: {  	_ =	shalt  }
0x5f: {  	_ =	shalt  }
0x60: {  	_ =	shalt  }
0x61: {  	_ =	shalt  }
0x62: {  	_ =	shalt  }
0x63: {  	_ =	shalt  }
0x64: {  	_ =	shalt  }
0x65: {  	_ =	shalt  }
0x66: {  	_ =	shalt  }
0x67: {  	_ =	shalt  }
0x68: {  	_ =	shalt  }
0x69: {  	_ =	shalt  }
0x6a: {  	_ =	shalt  }
0x6b: {  	_ =	shalt  }
0x6c: {  	_ =	shalt  }
0x6d: {  	_ =	shalt  }
0x6e: {  	_ =	shalt  }
0x6f: {  	_ =	shalt  }
0x70: {  	_ =	shalt  }
0x71: {  	_ =	shalt  }
0x72: {  	_ =	shalt  }
0x73: {  	_ =	shalt  }
0x74: {  	_ =	shalt  }
0x75: {  	_ =	shalt  }
0x76: {  	_ =	shalt  }
0x77: {  	_ =	shalt  }
0x78: {  	_ =	shalt  }
0x79: {  	_ =	shalt  }
0x7a: {  	_ =	shalt  }
0x7b: {  	_ =	shalt  }
0x7c: {  	_ =	shalt  }
0x7d: {  	_ =	shalt  }
0x7e: {  	_ =	shalt  }
0x7f: {  	_ =	shalt  }
0x80: {  	_ =	shalt  }
0x81: {  	_ =	shalt  }
0x82: {  	_ =	shalt  }
0x83: {  	_ =	shalt  }
0x84: {  	_ =	shalt  }
0x85: {  	_ =	shalt  }
0x86: {  	_ =	shalt  }
0x87: {  	_ =	shalt  }
.Lfunc_end0:
.L_simem_size_0:
called_computation.1_lowered:
.L_overlay_start_0:
0x88: {  	s2 =	sld [smem:$0x3FD9]  }
0x89: {  	s3 =	sld [smem:$0x3FFE];
	_ =	sdelay $0x1  }
0x8a: {  	s1 =	srdreg.scid  }
0x8b: {  	s0 =	sand.u32 $0x1, s1  }
0x8c: {  	s17 =	sshll.u32 s0, $0xA;
	s2 =	sadd.s32 s3, s2  }
0x8d: {  	s2 =	sadd.s32 s2, s17  }
0x8e: {  	[smem:$0x3FC3] =	sst s2  }
0x8f: {  	_ = 	snop  }
0x90: {  	s2 =	sld [smem:$0x3FD0];
	(tm) =	ssettm $0x1  }
0x91: {  	s18 =	sld [smem:$0x3FFB];
	_ =	sdelay $0x3  }
0x92: {  	_ =	strace s18  }
0x93: {  	s3 =	sld [smem:$0x3FFC];
	_ =	sdelay $0x3  }
0x94: {  	_ =	strace s3  }
0x95: {  	s3 =	sld [smem:$0x3FFD];
	_ =	sdelay $0x3  }
0x96: {  	_ =	strace s3  }
0x97: {  	_ =	strace $0x8FFFFFFF  }
0x98: {  	s19 =	sld [smem:$0x3FDB];
	_ =	sdelay $0x1  }
0x99: {  	s4 =	simm.s32 $_scs_section_size  }
0x9a: {  	s5 =	simm.s32 $_size__tile_overlayer_lowered;
	s6 =	simm.s32 $_tile_overlayer_lowered  }
0x9b: {  	s22 =	simm.s32 $0x1BFF;
	s21 =	sshll.u32 s6, $0x1;
	s3 =	sadd.s32 s4, s19  }
0x9c: {  	s7 =	simm.s32 $0x0;
	s20 =	sshll.u32 s5, $0x1;
	s5 =	sadd.s32 s21, s3  }
0x9d: {  	[timem:s7], [sflag:s22] =	dma.local [hbm:s5], s20  }
0x9e: {  	_ =	swait.ge [sflag:s22], s20  }
0x9f: {  	s4 =	ssub.s32 $0x0, s20;
	[sflag:s22] =	ssyncset.done $0x0  }
0xa0: {  	[sflag:s22] =	ssyncadd.s32 s4;
	_ =	sdelay $0x1  }
0xa1: {  	s23 =	simm.s32 $0x1B8B  }
0xa2: {  	_ =	swait.ge [sflag:s23], $0x1  }
0xa3: {  	[sflag:s23] =	ssyncset.done $0x0  }
0xa4: {  	s25 =	simm.s32 $0x1B8E;
	s24 =	sld [smem:$0x3FFE];
	[sflag:s23] =	ssyncadd.s32 $0xFFFFFFFF  }
0xa5: {  	s26 =	simm.s32 $execute0_lowered;
	[smem:$0x3FD2] =	sst s25  }
0xa6: {  	s5 =	sshll.u32 s26, $0x1;
	_ =	strace $0x80000046;
	[dreg:$0x1] =	wrdreg $0xFFFFFFFF  }
0xa7: {  	s28 =	simm.s32 $_size_execute0_lowered;
	s3 =	sadd.s32 s3, s5;
	[dreg:$0x0] =	wrdreg $0x0  }
0xa8: {  	s5 =	sshll.u32 s28, $0x1;
	[dreg:$0x2] =	wrdreg s3  }
0xa9: {  	[dreg:$0x3] =	wrdreg s5  }
0xaa: {  	[dreg:$0x4] =	wrdreg $0xC0  }
0xab: {  	_ =	task [dreg:s7], $0x5FFFF  }
0xac: {  	[dreg:$0x1] =	wrdreg $0xFFFFFFFF  }
0xad: {  	[dreg:$0x0] =	wrdreg $0x60  }
0xae: {  	[dreg:$0x2] =	wrdreg s2  }
0xaf: {  	[dreg:$0x3] =	wrdreg s24  }
0xb0: {  	[dreg:$0x4] =	wrdreg $0x9  }
0xb1: {  	_ =	task.clear_ibuf [dreg:s7], $0x5FFFF;
	_ =	strace $0x90000046  }
0xb2: {  	s29 =	simm.s32 $0x9;
	_ =	strace $0x80000048  }
0xb3: {  	_ =	swait.ge [sflag:s29], $0x1  }
0xb4: {  	[sflag:s29] =	ssyncadd.s32 $0xFFFFFFFF  }
0xb5: {  	_ =	strace $0x90000048  }
0xb6: {  	_ =	sfence  }
0xb7: {  	s30 =	sld [smem:$0x0];
	_ =	sdelay $0x2  }
0xb8: {  	s31 =	sshll.u32 s1, $0xD;
	s1 =	sshrl.u32 s1, $0x2  }
0xb9: {  	s3 =	sand.u32 $0x4000, s31;
	s1 =	sadd.s32 s1, s30  }
0xba: {  	s0 =	sor.u32 s3, s0;
	s1 =	sshll.u32 s1, $0x11  }
0xbb: {  	s0 =	sor.u32 s1, s0  }
0xbc: {  	s0 =	sadd.s32 $0x8F2B, s0  }
0xbd: {  	[sflag:s0] =	ssyncadd.remote.s32 $0x1  }
0xbe: {  	_ =	sfence.sel $0xFFFF  }
0xbf: {  	[dreg:$0x0] =	wrdreg $0xFFFFFFFF;
	(pc) =	sbr.abs _section_cstart, $3  }
0xc0: {  	[dreg:$0x1] =	wrdreg $0xFFFFFFFF  }
0xc1: {  	_ =	task.clear_ibuf [dreg:s7], $0x2FFFF;
	_ =	strace $0x9FFFFFFF  }
0xc2: {  	(tm) =	ssettm $0x7FFFFFFF  }
0xc3: {  	_ =	shalt  }
tec
execute0_lowered:
.L_overlay_start_1:
0x0: {  	(tag) =	ssettag $0x1  }
0x1: {  	s0 =	rddreg [dreg:$0x0];
	s3 =	srdreg.scid  }
0x2: {  	s1 =	rddreg [dreg:$0x1];
	s4 =	stileid.u32;
	s3 =	sand.u32 $0x1, s3  }
0x3: {  	s2 =	simm.s32 $0x0;
	s4 =	sshll.u32 s4, $0xD;
	s5 =	sshll.u32 s3, $0xC  }
0x4: {  	[smem:$0x7FF] =	sst s2;
	s4 =	sor.u32 s5, s4  }
0x5: {  	s21 =	ssub.s32 $0x2, s3;
	s6 =	sshll.u32 s4, $0x4;
	s4 =	sshrl.u32 s4, $0x3  }
0x6: {  	s3 =	sadd.s32 $0xC00, s1;
	s1 =	sadd.s32 s6, s1;
	s0 =	sadd.s32 s0, s4  }
0x7: {  	_ =	strace $0x80000047;
	[dreg:$0x3] =	wrdreg s0;
	s22 =	sadd.s32 $0x2E00, s1  }
0x8: {  	s23 =	sadd.s32 $0x3600, s1;
	[dreg:$0x4] =	wrdreg s22  }
0x9: {  	s24 =	sadd.s32 $0x3E00, s1;
	[dreg:$0x5] =	wrdreg s23  }
0xa: {  	s25 =	sadd.s32 $0x4600, s1;
	[dreg:$0x6] =	wrdreg s24  }
0xb: {  	s26 =	sadd.s32 $0x4E00, s1;
	[dreg:$0x7] =	wrdreg s25  }
0xc: {  	s31 =	sadd.s32 $0x5600, s1;
	[dreg:$0x8] =	wrdreg s26  }
0xd: {  	s4 =	sadd.s32 $0x5E00, s1;
	[dreg:$0x9] =	wrdreg s31  }
0xe: {  	s5 =	sadd.s32 $0x6600, s1;
	[dreg:$0xa] =	wrdreg s4  }
0xf: {  	s7 =	sshrl.u32 s21, $0x1;
	s6 =	sadd.s32 $0x6E00, s1;
	[dreg:$0xb] =	wrdreg s5  }
0x10: {  	s8 =	ssub.s32 s21, s7;
	s7 =	sadd.s32 $0x7600, s1;
	[dreg:$0xc] =	wrdreg s6  }
0x11: {  	s9 =	sadd.s32 $0x7E00, s1;
	[dreg:$0xd] =	wrdreg s7  }
0x12: {  	s10 =	sadd.s32 $0x8600, s1;
	[dreg:$0xe] =	wrdreg s9  }
0x13: {  	s11 =	sadd.s32 $0x8E00, s1;
	[dreg:$0xf] =	wrdreg s10  }
0x14: {  	s12 =	sadd.s32 $0x9600, s1;
	[dreg:$0x10] =	wrdreg s11  }
0x15: {  	s13 =	sadd.s32 $0x9E00, s1;
	[dreg:$0x11] =	wrdreg s12  }
0x16: {  	s14 =	sadd.s32 $0xA600, s1;
	[dreg:$0x12] =	wrdreg s13  }
0x17: {  	s15 =	sadd.s32 $0xAE00, s1;
	[dreg:$0x13] =	wrdreg s14  }
0x18: {  	s16 =	sadd.s32 $0xB600, s1;
	[dreg:$0x14] =	wrdreg s15  }
0x19: {  	s17 =	sadd.s32 $0xBE00, s1;
	[dreg:$0x15] =	wrdreg s16  }
0x1a: {  	s18 =	sadd.s32 $0xC600, s1;
	[dreg:$0x16] =	wrdreg s17  }
0x1b: {  	s19 =	sadd.s32 $0xCE00, s1;
	[dreg:$0x17] =	wrdreg s18  }
0x1c: {  	s28 =	simm.s32 $0x6;
	s20 =	sadd.s32 $0xD600, s1;
	[dreg:$0x18] =	wrdreg s19  }
0x1d: {  	s29 =	simm.s32 $0xC;
	s21 =	sadd.s32 $0xDE00, s1;
	[dreg:$0x19] =	wrdreg s20  }
0x1e: {  	s30 =	simm.s32 $0x0;
	s8 =	smax.u32 s8, $0x1;
	[dreg:$0x1a] =	wrdreg s21  }
0x1f: {  	s22 =	sadd.s32 $0xE600, s1;
	s23 =	sadd.s32 $0xEE00, s1;
	s24 =	sadd.s32 $0xF600, s1  }
0x20: {  	s25 =	sadd.s32 $0xFE00, s1;
	s26 =	sadd.s32 $0x10600, s1;
	s31 =	sadd.s32 $0x10E00, s1  }
0x21: {  	s5 =	sadd.s32 $0x11600, s1;
	s6 =	sadd.s32 $0x11E00, s1;
	s7 =	sadd.s32 $0x12600, s1  }
0x22: {  	s9 =	simm.s32 $0xD;
	s10 =	simm.s32 $0x80;
	s11 =	simm.s32 $0x2000  }
0x23: {  	s12 =	simm.s32 $0x6000;
	s13 =	simm.s32 $0xA000;
	[dreg:$0x1b] =	wrdreg s22  }
0x24: {  	s14 =	simm.s32 $0xE000;
	s15 =	simm.s32 $0x12000;
	[dreg:$0x1c] =	wrdreg s23  }
0x25: {  	s16 =	simm.s32 $0x16000;
	s17 =	simm.s32 $0x1;
	[dreg:$0x1d] =	wrdreg s24  }
0x26: {  	s18 =	simm.s32 $0x7;
	s19 =	simm.s32 $0x2;
	[dreg:$0x1e] =	wrdreg s25  }
0x27: {  	s20 =	simm.s32 $0x8;
	s21 =	simm.s32 $0x3;
	[dreg:$0x1f] =	wrdreg s26  }
0x28: {  	v0 =	vlaneseq.u32;
	[smem:$0x7FD] =	sst s31;
	s22 =	simm.s32 $0x9;
	s23 =	simm.s32 $0x4  }
0x29: {  	v0 =	vand.u32 $0x7, v0;
	s24 =	simm.s32 $0xA;
	s25 =	simm.s32 $0x5;
	s26 =	simm.s32 $0xB  }
.LBB2_1:
0x2a: {  	s0 =	rddreg [dreg:$0x3]  }
0x2b: {  	[tilespmem:s2], [sflag:$0xD] =	stream.linear.gather [hbm4b:s0+s2], $0x1000, $0x38;
	[tilespmem:$0x1A000] =	vst v63  }
0x2c: {  	_ =	swait.ge [sflag:s9], $0x1000  }
0x2d: {  	[sflag:s9] =	ssyncset.done $0x0  }
0x2e: {  	[sflag:s9] =	ssyncadd.s32 $0xFFFFF000  }
0x2f: {  	s31 =	simm.s32 $0x0;
	s1 =	simm.s32 $0x0;
	s0 =	simm.s32 $0x10;
	v1 =	vld [tilespmem:s2+$0x0]  }
.LBB2_2:
0x30: {  	p0 =	sne.s32 s0, $0xFF0;
	_ =	sdelay $0x2  }
.Ltmp0:
0x31: {  	(pc) =	sbr.rel @p0 .LBB2_2-.Ltmp0, $4  }
0x32: {  	v1 =	vshll.u32 v1, $0x3  }
0x33: {  	s4 =	sand.u32 $0xFF0, s31;
	s31 =	smov.u32 s0;
	v1 =	vor.u32 v0, v1  }
0x34: {  	s1 =	sadd.s32 $0x10, s1;
	[tilespmem:s4+$0x1000] =	vst v1  }
0x35: {  	s0 =	sadd.s32 $0x10, s0;
	v1 =	vld [tilespmem:s1+$0x0]  }
0x36: {  	_ =	sdelay $0x3  }
0x37: {  	v1 =	vshll.u32 v1, $0x3  }
0x38: {  	s0 =	sand.u32 $0xFF0, s31;
	v1 =	vor.u32 v0, v1  }
0x39: {  	s31 =	simm.s32 $0x1000;
	[tilespmem:s0+$0x1000] =	vst v1  }
0x3a: {  	[tilespmem:s11], [sflag:$0x1] =	stream.indirect.gather [hbm4b:s3+s10], $0x80, s31, s10, $0xb8;
	[tilespmem:$0x1A000] =	vst v63  }
0x3b: {  	s1 =	simm.s32 $0x1080  }
0x3c: {  	[tilespmem:s12], [sflag:$0x2] =	stream.indirect.gather [hbm4b:s3+s10], $0x80, s1, s10, $0xb8;
	[tilespmem:$0x1A000] =	vst v63  }
0x3d: {  	s4 =	simm.s32 $0x1100  }
0x3e: {  	[tilespmem:s13], [sflag:$0x3] =	stream.indirect.gather [hbm4b:s3+s10], $0x80, s4, s10, $0xb8;
	[tilespmem:$0x1A000] =	vst v63  }
0x3f: {  	s31 =	simm.s32 $0x1180  }
0x40: {  	[tilespmem:s14], [sflag:$0x4] =	stream.indirect.gather [hbm4b:s3+s10], $0x80, s31, s10, $0xb8;
	[tilespmem:$0x1A000] =	vst v63  }
0x41: {  	s1 =	simm.s32 $0x1200  }
0x42: {  	[tilespmem:s15], [sflag:$0x5] =	stream.indirect.gather [hbm4b:s3+s10], $0x80, s1, s10, $0xb8;
	[tilespmem:$0x1A000] =	vst v63  }
0x43: {  	s4 =	simm.s32 $0x1280  }
0x44: {  	[tilespmem:s16], [sflag:$0x6] =	stream.indirect.gather [hbm4b:s3+s10], $0x80, s4, s10, $0xb8;
	[tilespmem:$0x1A000] =	vst v63  }
0x45: {  	_ =	swait.ge [sflag:s17], $0x4000  }
0x46: {  	[sflag:s17] =	ssyncset.done $0x0  }
0x47: {  	s31 =	rddreg [dreg:$0x4];
	[sflag:s17] =	ssyncadd.s32 $0xFFFFC000  }
0x48: {  	[hbm4b:s31+s2] =	stream.linear.scatter [tilespmem:s11], [sflag:$0x7], $0x4000, $0x38;
	[tilespmem:$0x1A000] =	vst v63  }
0x49: {  	_ =	swait.ge [sflag:s18], $0x4000  }
0x4a: {  	[sflag:s18] =	ssyncset.done $0x0  }
0x4b: {  	s1 =	simm.s32 $0x1300;
	[sflag:s18] =	ssyncadd.s32 $0xFFFFC000  }
0x4c: {  	[tilespmem:s11], [sflag:$0x1] =	stream.indirect.gather [hbm4b:s3+s10], $0x80, s1, s10, $0xb8;
	[tilespmem:$0x1A000] =	vst v63  }
0x4d: {  	_ =	swait.ge [sflag:s19], $0x4000  }
0x4e: {  	[sflag:s19] =	ssyncset.done $0x0  }
0x4f: {  	s4 =	rddreg [dreg:$0x5];
	[sflag:s19] =	ssyncadd.s32 $0xFFFFC000  }
0x50: {  	[hbm4b:s4+s2] =	stream.linear.scatter [tilespmem:s12], [sflag:$0x8], $0x4000, $0x38;
	[tilespmem:$0x1A000] =	vst v63  }
0x51: {  	_ =	swait.ge [sflag:s20], $0x4000  }
0x52: {  	[sflag:s20] =	ssyncset.done $0x0  }
0x53: {  	s31 =	simm.s32 $0x1380;
	[sflag:s20] =	ssyncadd.s32 $0xFFFFC000  }
0x54: {  	[tilespmem:s12], [sflag:$0x2] =	stream.indirect.gather [hbm4b:s3+s10], $0x80, s31, s10, $0xb8;
	[tilespmem:$0x1A000] =	vst v63  }
0x55: {  	_ =	swait.ge [sflag:s21], $0x4000  }
0x56: {  	[sflag:s21] =	ssyncset.done $0x0  }
0x57: {  	s1 =	rddreg [dreg:$0x6];
	[sflag:s21] =	ssyncadd.s32 $0xFFFFC000  }
0x58: {  	[hbm4b:s1+s2] =	stream.linear.scatter [tilespmem:s13], [sflag:$0x9], $0x4000, $0x38;
	[tilespmem:$0x1A000] =	vst v63  }
0x59: {  	_ =	swait.ge [sflag:s22], $0x4000  }
0x5a: {  	[sflag:s22] =	ssyncset.done $0x0  }
0x5b: {  	s4 =	simm.s32 $0x1400;
	[sflag:s22] =	ssyncadd.s32 $0xFFFFC000  }
0x5c: {  	[tilespmem:s13], [sflag:$0x3] =	stream.indirect.gather [hbm4b:s3+s10], $0x80, s4, s10, $0xb8;
	[tilespmem:$0x1A000] =	vst v63  }
0x5d: {  	_ =	swait.ge [sflag:s23], $0x4000  }
0x5e: {  	[sflag:s23] =	ssyncset.done $0x0  }
0x5f: {  	s31 =	rddreg [dreg:$0x7];
	[sflag:s23] =	ssyncadd.s32 $0xFFFFC000  }
0x60: {  	[hbm4b:s31+s2] =	stream.linear.scatter [tilespmem:s14], [sflag:$0xA], $0x4000, $0x38;
	[tilespmem:$0x1A000] =	vst v63  }
0x61: {  	_ =	swait.ge [sflag:s24], $0x4000  }
0x62: {  	[sflag:s24] =	ssyncset.done $0x0  }
0x63: {  	s1 =	simm.s32 $0x1480;
	[sflag:s24] =	ssyncadd.s32 $0xFFFFC000  }
0x64: {  	[tilespmem:s14], [sflag:$0x4] =	stream.indirect.gather [hbm4b:s3+s10], $0x80, s1, s10, $0xb8;
	[tilespmem:$0x1A000] =	vst v63  }
0x65: {  	_ =	swait.ge [sflag:s25], $0x4000  }
0x66: {  	[sflag:s25] =	ssyncset.done $0x0  }
0x67: {  	s4 =	rddreg [dreg:$0x8];
	[sflag:s25] =	ssyncadd.s32 $0xFFFFC000  }
0x68: {  	[hbm4b:s4+s2] =	stream.linear.scatter [tilespmem:s15], [sflag:$0xB], $0x4000, $0x38;
	[tilespmem:$0x1A000] =	vst v63  }
0x69: {  	_ =	swait.ge [sflag:s26], $0x4000  }
0x6a: {  	[sflag:s26] =	ssyncset.done $0x0  }
0x6b: {  	s31 =	simm.s32 $0x1500;
	[sflag:s26] =	ssyncadd.s32 $0xFFFFC000  }
0x6c: {  	[tilespmem:s15], [sflag:$0x5] =	stream.indirect.gather [hbm4b:s3+s10], $0x80, s31, s10, $0xb8;
	[tilespmem:$0x1A000] =	vst v63  }
0x6d: {  	_ =	swait.ge [sflag:s28], $0x4000  }
0x6e: {  	[sflag:s28] =	ssyncset.done $0x0  }
0x6f: {  	s1 =	rddreg [dreg:$0x9];
	[sflag:s28] =	ssyncadd.s32 $0xFFFFC000  }
0x70: {  	[hbm4b:s1+s2] =	stream.linear.scatter [tilespmem:s16], [sflag:$0xC], $0x4000, $0x38;
	[tilespmem:$0x1A000] =	vst v63  }
0x71: {  	_ =	swait.ge [sflag:s29], $0x4000  }
0x72: {  	[sflag:s29] =	ssyncset.done $0x0  }
0x73: {  	s4 =	simm.s32 $0x1580;
	[sflag:s29] =	ssyncadd.s32 $0xFFFFC000  }
0x74: {  	[tilespmem:s16], [sflag:$0x6] =	stream.indirect.gather [hbm4b:s3+s10], $0x80, s4, s10, $0xb8;
	[tilespmem:$0x1A000] =	vst v63  }
0x75: {  	_ =	swait.ge [sflag:s17], $0x4000  }
0x76: {  	[sflag:s17] =	ssyncset.done $0x0  }
0x77: {  	s31 =	rddreg [dreg:$0xa];
	[sflag:s17] =	ssyncadd.s32 $0xFFFFC000  }
0x78: {  	[hbm4b:s31+s2] =	stream.linear.scatter [tilespmem:s11], [sflag:$0x7], $0x4000, $0x38;
	[tilespmem:$0x1A000] =	vst v63  }
0x79: {  	_ =	swait.ge [sflag:s18], $0x4000  }
0x7a: {  	[sflag:s18] =	ssyncset.done $0x0  }
0x7b: {  	s1 =	simm.s32 $0x1600;
	[sflag:s18] =	ssyncadd.s32 $0xFFFFC000  }
0x7c: {  	[tilespmem:s11], [sflag:$0x1] =	stream.indirect.gather [hbm4b:s3+s10], $0x80, s1, s10, $0xb8;
	[tilespmem:$0x1A000] =	vst v63  }
0x7d: {  	_ =	swait.ge [sflag:s19], $0x4000  }
0x7e: {  	[sflag:s19] =	ssyncset.done $0x0  }
0x7f: {  	s4 =	rddreg [dreg:$0xb];
	[sflag:s19] =	ssyncadd.s32 $0xFFFFC000  }
0x80: {  	[hbm4b:s4+s2] =	stream.linear.scatter [tilespmem:s12], [sflag:$0x8], $0x4000, $0x38;
	[tilespmem:$0x1A000] =	vst v63  }
0x81: {  	_ =	swait.ge [sflag:s20], $0x4000  }
0x82: {  	[sflag:s20] =	ssyncset.done $0x0  }
0x83: {  	s31 =	simm.s32 $0x1680;
	[sflag:s20] =	ssyncadd.s32 $0xFFFFC000  }
0x84: {  	[tilespmem:s12], [sflag:$0x2] =	stream.indirect.gather [hbm4b:s3+s10], $0x80, s31, s10, $0xb8;
	[tilespmem:$0x1A000] =	vst v63  }
0x85: {  	_ =	swait.ge [sflag:s21], $0x4000  }
0x86: {  	[sflag:s21] =	ssyncset.done $0x0  }
0x87: {  	s1 =	rddreg [dreg:$0xc];
	[sflag:s21] =	ssyncadd.s32 $0xFFFFC000  }
0x88: {  	[hbm4b:s1+s2] =	stream.linear.scatter [tilespmem:s13], [sflag:$0x9], $0x4000, $0x38;
	[tilespmem:$0x1A000] =	vst v63  }
0x89: {  	_ =	swait.ge [sflag:s22], $0x4000  }
0x8a: {  	[sflag:s22] =	ssyncset.done $0x0  }
0x8b: {  	s4 =	simm.s32 $0x1700;
	[sflag:s22] =	ssyncadd.s32 $0xFFFFC000  }
0x8c: {  	[tilespmem:s13], [sflag:$0x3] =	stream.indirect.gather [hbm4b:s3+s10], $0x80, s4, s10, $0xb8;
	[tilespmem:$0x1A000] =	vst v63  }
0x8d: {  	_ =	swait.ge [sflag:s23], $0x4000  }
0x8e: {  	[sflag:s23] =	ssyncset.done $0x0  }
0x8f: {  	s31 =	rddreg [dreg:$0xd];
	[sflag:s23] =	ssyncadd.s32 $0xFFFFC000  }
0x90: {  	[hbm4b:s31+s2] =	stream.linear.scatter [tilespmem:s14], [sflag:$0xA], $0x4000, $0x38;
	[tilespmem:$0x1A000] =	vst v63  }
0x91: {  	_ =	swait.ge [sflag:s24], $0x4000  }
0x92: {  	[sflag:s24] =	ssyncset.done $0x0  }
0x93: {  	s1 =	simm.s32 $0x1780;
	[sflag:s24] =	ssyncadd.s32 $0xFFFFC000  }
0x94: {  	[tilespmem:s14], [sflag:$0x4] =	stream.indirect.gather [hbm4b:s3+s10], $0x80, s1, s10, $0xb8;
	[tilespmem:$0x1A000] =	vst v63  }
0x95: {  	_ =	swait.ge [sflag:s25], $0x4000  }
0x96: {  	[sflag:s25] =	ssyncset.done $0x0  }
0x97: {  	s4 =	rddreg [dreg:$0xe];
	[sflag:s25] =	ssyncadd.s32 $0xFFFFC000  }
0x98: {  	[hbm4b:s4+s2] =	stream.linear.scatter [tilespmem:s15], [sflag:$0xB], $0x4000, $0x38;
	[tilespmem:$0x1A000] =	vst v63  }
0x99: {  	_ =	swait.ge [sflag:s26], $0x4000  }
0x9a: {  	[sflag:s26] =	ssyncset.done $0x0  }
0x9b: {  	s31 =	simm.s32 $0x1800;
	[sflag:s26] =	ssyncadd.s32 $0xFFFFC000  }
0x9c: {  	[tilespmem:s15], [sflag:$0x5] =	stream.indirect.gather [hbm4b:s3+s10], $0x80, s31, s10, $0xb8;
	[tilespmem:$0x1A000] =	vst v63  }
0x9d: {  	_ =	swait.ge [sflag:s28], $0x4000  }
0x9e: {  	[sflag:s28] =	ssyncset.done $0x0  }
0x9f: {  	s1 =	rddreg [dreg:$0xf];
	[sflag:s28] =	ssyncadd.s32 $0xFFFFC000  }
0xa0: {  	[hbm4b:s1+s2] =	stream.linear.scatter [tilespmem:s16], [sflag:$0xC], $0x4000, $0x38;
	[tilespmem:$0x1A000] =	vst v63  }
0xa1: {  	_ =	swait.ge [sflag:s29], $0x4000  }
0xa2: {  	[sflag:s29] =	ssyncset.done $0x0  }
0xa3: {  	s4 =	simm.s32 $0x1880;
	[sflag:s29] =	ssyncadd.s32 $0xFFFFC000  }
0xa4: {  	[tilespmem:s16], [sflag:$0x6] =	stream.indirect.gather [hbm4b:s3+s10], $0x80, s4, s10, $0xb8;
	[tilespmem:$0x1A000] =	vst v63  }
0xa5: {  	_ =	swait.ge [sflag:s17], $0x4000  }
0xa6: {  	[sflag:s17] =	ssyncset.done $0x0  }
0xa7: {  	s31 =	rddreg [dreg:$0x10];
	[sflag:s17] =	ssyncadd.s32 $0xFFFFC000  }
0xa8: {  	[hbm4b:s31+s2] =	stream.linear.scatter [tilespmem:s11], [sflag:$0x7], $0x4000, $0x38;
	[tilespmem:$0x1A000] =	vst v63  }
0xa9: {  	_ =	swait.ge [sflag:s18], $0x4000  }
0xaa: {  	[sflag:s18] =	ssyncset.done $0x0  }
0xab: {  	s1 =	simm.s32 $0x1900;
	[sflag:s18] =	ssyncadd.s32 $0xFFFFC000  }
0xac: {  	[tilespmem:s11], [sflag:$0x1] =	stream.indirect.gather [hbm4b:s3+s10], $0x80, s1, s10, $0xb8;
	[tilespmem:$0x1A000] =	vst v63  }
0xad: {  	_ =	swait.ge [sflag:s19], $0x4000  }
0xae: {  	[sflag:s19] =	ssyncset.done $0x0  }
0xaf: {  	s4 =	rddreg [dreg:$0x11];
	[sflag:s19] =	ssyncadd.s32 $0xFFFFC000  }
0xb0: {  	[hbm4b:s4+s2] =	stream.linear.scatter [tilespmem:s12], [sflag:$0x8], $0x4000, $0x38;
	[tilespmem:$0x1A000] =	vst v63  }
0xb1: {  	_ =	swait.ge [sflag:s20], $0x4000  }
0xb2: {  	[sflag:s20] =	ssyncset.done $0x0  }
0xb3: {  	s31 =	simm.s32 $0x1980;
	[sflag:s20] =	ssyncadd.s32 $0xFFFFC000  }
0xb4: {  	[tilespmem:s12], [sflag:$0x2] =	stream.indirect.gather [hbm4b:s3+s10], $0x80, s31, s10, $0xb8;
	[tilespmem:$0x1A000] =	vst v63  }
0xb5: {  	_ =	swait.ge [sflag:s21], $0x4000  }
0xb6: {  	[sflag:s21] =	ssyncset.done $0x0  }
0xb7: {  	s1 =	rddreg [dreg:$0x12];
	[sflag:s21] =	ssyncadd.s32 $0xFFFFC000  }
0xb8: {  	[hbm4b:s1+s2] =	stream.linear.scatter [tilespmem:s13], [sflag:$0x9], $0x4000, $0x38;
	[tilespmem:$0x1A000] =	vst v63  }
0xb9: {  	_ =	swait.ge [sflag:s22], $0x4000  }
0xba: {  	[sflag:s22] =	ssyncset.done $0x0  }
0xbb: {  	s4 =	simm.s32 $0x1A00;
	[sflag:s22] =	ssyncadd.s32 $0xFFFFC000  }
0xbc: {  	[tilespmem:s13], [sflag:$0x3] =	stream.indirect.gather [hbm4b:s3+s10], $0x80, s4, s10, $0xb8;
	[tilespmem:$0x1A000] =	vst v63  }
0xbd: {  	_ =	swait.ge [sflag:s23], $0x4000  }
0xbe: {  	[sflag:s23] =	ssyncset.done $0x0  }
0xbf: {  	s31 =	rddreg [dreg:$0x13];
	[sflag:s23] =	ssyncadd.s32 $0xFFFFC000  }
0xc0: {  	[hbm4b:s31+s2] =	stream.linear.scatter [tilespmem:s14], [sflag:$0xA], $0x4000, $0x38;
	[tilespmem:$0x1A000] =	vst v63  }
0xc1: {  	_ =	swait.ge [sflag:s24], $0x4000  }
0xc2: {  	[sflag:s24] =	ssyncset.done $0x0  }
0xc3: {  	s1 =	simm.s32 $0x1A80;
	[sflag:s24] =	ssyncadd.s32 $0xFFFFC000  }
0xc4: {  	[tilespmem:s14], [sflag:$0x4] =	stream.indirect.gather [hbm4b:s3+s10], $0x80, s1, s10, $0xb8;
	[tilespmem:$0x1A000] =	vst v63  }
0xc5: {  	_ =	swait.ge [sflag:s25], $0x4000  }
0xc6: {  	[sflag:s25] =	ssyncset.done $0x0  }
0xc7: {  	s4 =	rddreg [dreg:$0x14];
	[sflag:s25] =	ssyncadd.s32 $0xFFFFC000  }
0xc8: {  	[hbm4b:s4+s2] =	stream.linear.scatter [tilespmem:s15], [sflag:$0xB], $0x4000, $0x38;
	[tilespmem:$0x1A000] =	vst v63  }
0xc9: {  	_ =	swait.ge [sflag:s26], $0x4000  }
0xca: {  	[sflag:s26] =	ssyncset.done $0x0  }
0xcb: {  	s31 =	simm.s32 $0x1B00;
	[sflag:s26] =	ssyncadd.s32 $0xFFFFC000  }
0xcc: {  	[tilespmem:s15], [sflag:$0x5] =	stream.indirect.gather [hbm4b:s3+s10], $0x80, s31, s10, $0xb8;
	[tilespmem:$0x1A000] =	vst v63  }
0xcd: {  	_ =	swait.ge [sflag:s28], $0x4000  }
0xce: {  	[sflag:s28] =	ssyncset.done $0x0  }
0xcf: {  	s1 =	rddreg [dreg:$0x15];
	[sflag:s28] =	ssyncadd.s32 $0xFFFFC000  }
0xd0: {  	[hbm4b:s1+s2] =	stream.linear.scatter [tilespmem:s16], [sflag:$0xC], $0x4000, $0x38;
	[tilespmem:$0x1A000] =	vst v63  }
0xd1: {  	_ =	swait.ge [sflag:s29], $0x4000  }
0xd2: {  	[sflag:s29] =	ssyncset.done $0x0  }
0xd3: {  	s4 =	simm.s32 $0x1B80;
	[sflag:s29] =	ssyncadd.s32 $0xFFFFC000  }
0xd4: {  	[tilespmem:s16], [sflag:$0x6] =	stream.indirect.gather [hbm4b:s3+s10], $0x80, s4, s10, $0xb8;
	[tilespmem:$0x1A000] =	vst v63  }
0xd5: {  	_ =	swait.ge [sflag:s17], $0x4000  }
0xd6: {  	[sflag:s17] =	ssyncset.done $0x0  }
0xd7: {  	s31 =	rddreg [dreg:$0x16];
	[sflag:s17] =	ssyncadd.s32 $0xFFFFC000  }
0xd8: {  	[hbm4b:s31+s2] =	stream.linear.scatter [tilespmem:s11], [sflag:$0x7], $0x4000, $0x38;
	[tilespmem:$0x1A000] =	vst v63  }
0xd9: {  	_ =	swait.ge [sflag:s18], $0x4000  }
0xda: {  	[sflag:s18] =	ssyncset.done $0x0  }
0xdb: {  	s1 =	simm.s32 $0x1C00;
	[sflag:s18] =	ssyncadd.s32 $0xFFFFC000  }
0xdc: {  	[tilespmem:s11], [sflag:$0x1] =	stream.indirect.gather [hbm4b:s3+s10], $0x80, s1, s10, $0xb8;
	[tilespmem:$0x1A000] =	vst v63  }
0xdd: {  	_ =	swait.ge [sflag:s19], $0x4000  }
0xde: {  	[sflag:s19] =	ssyncset.done $0x0  }
0xdf: {  	s4 =	rddreg [dreg:$0x17];
	[sflag:s19] =	ssyncadd.s32 $0xFFFFC000  }
0xe0: {  	[hbm4b:s4+s2] =	stream.linear.scatter [tilespmem:s12], [sflag:$0x8], $0x4000, $0x38;
	[tilespmem:$0x1A000] =	vst v63  }
0xe1: {  	_ =	swait.ge [sflag:s20], $0x4000  }
0xe2: {  	[sflag:s20] =	ssyncset.done $0x0  }
0xe3: {  	s31 =	simm.s32 $0x1C80;
	[sflag:s20] =	ssyncadd.s32 $0xFFFFC000  }
0xe4: {  	[tilespmem:s12], [sflag:$0x2] =	stream.indirect.gather [hbm4b:s3+s10], $0x80, s31, s10, $0xb8;
	[tilespmem:$0x1A000] =	vst v63  }
0xe5: {  	_ =	swait.ge [sflag:s21], $0x4000  }
0xe6: {  	[sflag:s21] =	ssyncset.done $0x0  }
0xe7: {  	s1 =	rddreg [dreg:$0x18];
	[sflag:s21] =	ssyncadd.s32 $0xFFFFC000  }
0xe8: {  	[hbm4b:s1+s2] =	stream.linear.scatter [tilespmem:s13], [sflag:$0x9], $0x4000, $0x38;
	[tilespmem:$0x1A000] =	vst v63  }
0xe9: {  	_ =	swait.ge [sflag:s22], $0x4000  }
0xea: {  	[sflag:s22] =	ssyncset.done $0x0  }
0xeb: {  	s4 =	simm.s32 $0x1D00;
	[sflag:s22] =	ssyncadd.s32 $0xFFFFC000  }
0xec: {  	[tilespmem:s13], [sflag:$0x3] =	stream.indirect.gather [hbm4b:s3+s10], $0x80, s4, s10, $0xb8;
	[tilespmem:$0x1A000] =	vst v63  }
0xed: {  	_ =	swait.ge [sflag:s23], $0x4000  }
0xee: {  	[sflag:s23] =	ssyncset.done $0x0  }
0xef: {  	s31 =	rddreg [dreg:$0x19];
	[sflag:s23] =	ssyncadd.s32 $0xFFFFC000  }
0xf0: {  	[hbm4b:s31+s2] =	stream.linear.scatter [tilespmem:s14], [sflag:$0xA], $0x4000, $0x38;
	[tilespmem:$0x1A000] =	vst v63  }
0xf1: {  	_ =	swait.ge [sflag:s24], $0x4000  }
0xf2: {  	[sflag:s24] =	ssyncset.done $0x0  }
0xf3: {  	s1 =	simm.s32 $0x1D80;
	[sflag:s24] =	ssyncadd.s32 $0xFFFFC000  }
0xf4: {  	[tilespmem:s14], [sflag:$0x4] =	stream.indirect.gather [hbm4b:s3+s10], $0x80, s1, s10, $0xb8;
	[tilespmem:$0x1A000] =	vst v63  }
0xf5: {  	_ =	swait.ge [sflag:s25], $0x4000  }
0xf6: {  	[sflag:s25] =	ssyncset.done $0x0  }
0xf7: {  	s4 =	rddreg [dreg:$0x1a];
	[sflag:s25] =	ssyncadd.s32 $0xFFFFC000  }
0xf8: {  	[hbm4b:s4+s2] =	stream.linear.scatter [tilespmem:s15], [sflag:$0xB], $0x4000, $0x38;
	[tilespmem:$0x1A000] =	vst v63  }
0xf9: {  	_ =	swait.ge [sflag:s26], $0x4000  }
0xfa: {  	[sflag:s26] =	ssyncset.done $0x0  }
0xfb: {  	s31 =	simm.s32 $0x1E00;
	[sflag:s26] =	ssyncadd.s32 $0xFFFFC000  }
0xfc: {  	[tilespmem:s15], [sflag:$0x5] =	stream.indirect.gather [hbm4b:s3+s10], $0x80, s31, s10, $0xb8;
	[tilespmem:$0x1A000] =	vst v63  }
0xfd: {  	_ =	swait.ge [sflag:s28], $0x4000  }
0xfe: {  	[sflag:s28] =	ssyncset.done $0x0  }
0xff: {  	s1 =	rddreg [dreg:$0x1b];
	[sflag:s28] =	ssyncadd.s32 $0xFFFFC000  }
0x100: {  	[hbm4b:s1+s2] =	stream.linear.scatter [tilespmem:s16], [sflag:$0xC], $0x4000, $0x38;
	[tilespmem:$0x1A000] =	vst v63  }
0x101: {  	_ =	swait.ge [sflag:s29], $0x4000  }
0x102: {  	[sflag:s29] =	ssyncset.done $0x0  }
0x103: {  	s4 =	simm.s32 $0x1E80;
	[sflag:s29] =	ssyncadd.s32 $0xFFFFC000  }
0x104: {  	[tilespmem:s16], [sflag:$0x6] =	stream.indirect.gather [hbm4b:s3+s10], $0x80, s4, s10, $0xb8;
	[tilespmem:$0x1A000] =	vst v63  }
0x105: {  	_ =	swait.ge [sflag:s17], $0x4000  }
0x106: {  	[sflag:s17] =	ssyncset.done $0x0  }
0x107: {  	s31 =	rddreg [dreg:$0x1c];
	[sflag:s17] =	ssyncadd.s32 $0xFFFFC000  }
0x108: {  	[hbm4b:s31+s2] =	stream.linear.scatter [tilespmem:s11], [sflag:$0x7], $0x4000, $0x38;
	[tilespmem:$0x1A000] =	vst v63  }
0x109: {  	_ =	swait.ge [sflag:s18], $0x4000  }
0x10a: {  	[sflag:s18] =	ssyncset.done $0x0  }
0x10b: {  	s1 =	simm.s32 $0x1F00;
	[sflag:s18] =	ssyncadd.s32 $0xFFFFC000  }
0x10c: {  	[tilespmem:s11], [sflag:$0x1] =	stream.indirect.gather [hbm4b:s3+s10], $0x80, s1, s10, $0xb8;
	[tilespmem:$0x1A000] =	vst v63  }
0x10d: {  	_ =	swait.ge [sflag:s19], $0x4000  }
0x10e: {  	[sflag:s19] =	ssyncset.done $0x0  }
0x10f: {  	s4 =	rddreg [dreg:$0x1d];
	[sflag:s19] =	ssyncadd.s32 $0xFFFFC000  }
0x110: {  	[hbm4b:s4+s2] =	stream.linear.scatter [tilespmem:s12], [sflag:$0x8], $0x4000, $0x38;
	[tilespmem:$0x1A000] =	vst v63  }
0x111: {  	_ =	swait.ge [sflag:s20], $0x4000  }
0x112: {  	[sflag:s20] =	ssyncset.done $0x0  }
0x113: {  	s31 =	simm.s32 $0x1F80;
	[sflag:s20] =	ssyncadd.s32 $0xFFFFC000  }
0x114: {  	[tilespmem:s12], [sflag:$0x2] =	stream.indirect.gather [hbm4b:s3+s10], $0x80, s31, s10, $0xb8;
	[tilespmem:$0x1A000] =	vst v63  }
0x115: {  	_ =	swait.ge [sflag:s21], $0x4000  }
0x116: {  	[sflag:s21] =	ssyncset.done $0x0  }
0x117: {  	s1 =	rddreg [dreg:$0x1e];
	[sflag:s21] =	ssyncadd.s32 $0xFFFFC000  }
0x118: {  	[hbm4b:s1+s2] =	stream.linear.scatter [tilespmem:s13], [sflag:$0x9], $0x4000, $0x38;
	[tilespmem:$0x1A000] =	vst v63  }
0x119: {  	_ =	swait.ge [sflag:s23], $0x4000  }
0x11a: {  	[sflag:s23] =	ssyncset.done $0x0  }
0x11b: {  	s4 =	rddreg [dreg:$0x1f];
	[sflag:s23] =	ssyncadd.s32 $0xFFFFC000  }
0x11c: {  	[hbm4b:s4+s2] =	stream.linear.scatter [tilespmem:s14], [sflag:$0xA], $0x4000, $0x38;
	[tilespmem:$0x1A000] =	vst v63  }
0x11d: {  	_ =	swait.ge [sflag:s25], $0x4000  }
0x11e: {  	s31 =	sld [smem:$0x7FD]  }
0x11f: {  	[sflag:s25] =	ssyncset.done $0x0  }
0x120: {  	[sflag:s25] =	ssyncadd.s32 $0xFFFFC000  }
0x121: {  	[hbm4b:s31+s2] =	stream.linear.scatter [tilespmem:s15], [sflag:$0xB], $0x4000, $0x38;
	[tilespmem:$0x1A000] =	vst v63  }
0x122: {  	_ =	swait.ge [sflag:s28], $0x4000  }
0x123: {  	[sflag:s28] =	ssyncset.done $0x0  }
0x124: {  	[sflag:s28] =	ssyncadd.s32 $0xFFFFC000  }
0x125: {  	[hbm4b:s5+s2] =	stream.linear.scatter [tilespmem:s16], [sflag:$0xC], $0x4000, $0x38;
	[tilespmem:$0x1A000] =	vst v63  }
0x126: {  	_ =	swait.ge [sflag:s17], $0x4000  }
0x127: {  	[sflag:s17] =	ssyncset.done $0x0  }
0x128: {  	[sflag:s17] =	ssyncadd.s32 $0xFFFFC000  }
0x129: {  	[hbm4b:s6+s2] =	stream.linear.scatter [tilespmem:s11], [sflag:$0x7], $0x4000, $0x38;
	[tilespmem:$0x1A000] =	vst v63  }
0x12a: {  	_ =	swait.ge [sflag:s19], $0x4000  }
0x12b: {  	[sflag:s19] =	ssyncset.done $0x0  }
0x12c: {  	[sflag:s19] =	ssyncadd.s32 $0xFFFFC000  }
0x12d: {  	[hbm4b:s7+s2] =	stream.linear.scatter [tilespmem:s12], [sflag:$0x8], $0x4000, $0x38;
	[tilespmem:$0x1A000] =	vst v63  }
0x12e: {  	_ =	swait.ge [sflag:s18], $0x4000  }
0x12f: {  	[sflag:s18] =	ssyncset.done $0x0  }
0x130: {  	[sflag:s18] =	ssyncadd.s32 $0xFFFFC000  }
0x131: {  	_ =	swait.ge [sflag:s20], $0x4000  }
0x132: {  	[sflag:s20] =	ssyncset.done $0x0  }
0x133: {  	[sflag:s20] =	ssyncadd.s32 $0xFFFFC000  }
0x134: {  	_ =	swait.ge [sflag:s22], $0x4000  }
0x135: {  	[sflag:s22] =	ssyncset.done $0x0  }
0x136: {  	[sflag:s22] =	ssyncadd.s32 $0xFFFFC000  }
0x137: {  	_ =	swait.ge [sflag:s24], $0x4000  }
0x138: {  	[sflag:s24] =	ssyncset.done $0x0  }
0x139: {  	s30 =	sadd.s32 $0x1, s30;
	[sflag:s24] =	ssyncadd.s32 $0xFFFFC000  }
0x13a: {  	p0 =	sne.s32 s30, s8;
	_ =	swait.ge [sflag:s26], $0x4000  }
.Ltmp1:
0x13b: {  	[sflag:s26] =	ssyncset.done $0x0;
	(pc) =	sbr.rel @p0 .LBB2_1-.Ltmp1, $4  }
0x13c: {  	[sflag:s26] =	ssyncadd.s32 $0xFFFFC000  }
0x13d: {  	_ =	swait.ge [sflag:s29], $0x4000  }
0x13e: {  	[sflag:s29] =	ssyncset.done $0x0  }
0x13f: {  	[sflag:s29] =	ssyncadd.s32 $0xFFFFC000  }
0x140: {  	_ =	sfence.sel $0x180000  }
0x141: {  	[bflag:$0x0] =	sbarrier.arrive $0xFFFF  }
0x142: {  	_ =	strace $0x90000047  }
0x143: {  	s0 =	stileid.u32;
	[bflag:$0x2] =	sbarrier.arrive $0xFFFF  }
0x144: {  	p0 =	sne.s32 s0, $0x0;
	s0 =	rddreg [dreg:$0x2]  }
0x145: {  	s0 =	sadd.s32 @!p0 $0x100000, s0  }
0x146: {  	[sflag:s0] =	ssyncadd.tile.s32 @!p0 $0x1;
	_ =	shalt  }
.Lfunc_end2:
_tile_overlayer_lowered:
.L_overlay_start_2:
0x147: {  	(tag) =	ssettag $0x2  }
0x148: {  	s0 =	rddreg [dreg:$0x0];
	s2 =	stileid.u32  }
0x149: {  	s1 =	rddreg [dreg:$0x1];
	p0 =	sne.s32 s2, $0x0  }
0x14a: {  	s3 =	rddreg [dreg:$0x2];
	[bflag:$0x3] =	sbarrier.arrive $0xFFFF;
	s2 =	simm.s32 @!p0 $0x1C0D  }
0x14b: {  	[timem:s3], [sflag:s2] =	dma.local @!p0 [hbm:s0], s1  }
0x14c: {  	s0 =	simm.s32 @!p0 $0xD  }
0x14d: {  	_ =	swait.ge @!p0 [sflag:s0], s1  }
0x14e: {  	s1 =	ssub.s32 @!p0 $0x0, s1;
	[sflag:s0] =	ssyncset.done @!p0 $0x0  }
0x14f: {  	[sflag:s0] =	ssyncadd.s32 @!p0 s1  }
0x150: {  	[bflag:$0x3] =	sbarrier.arrive $0xFFFF  }
0x151: {  	_ =	shalt  }

// kernel: sparse-core-data-format-call.cloned.1.call-start
scs
called_computation_lowered:
.L_overlay_start_0:
0x0: {  	s2 =	sld [smem:$0x3FD9]  }
0x1: {  	s3 =	sld [smem:$0x3FFE];
	_ =	sdelay $0x1  }
0x2: {  	s1 =	srdreg.scid  }
0x3: {  	s0 =	sand.u32 $0x1, s1  }
0x4: {  	s18 =	sshll.u32 s0, $0xA;
	s2 =	sadd.s32 s3, s2  }
0x5: {  	s2 =	sadd.s32 s2, s18  }
0x6: {  	[smem:$0x3FC3] =	sst s2  }
0x7: {  	_ = 	snop  }
0x8: {  	s2 =	sld [smem:$0x3FD0];
	(tm) =	ssettm $0x1  }
0x9: {  	s19 =	sld [smem:$0x3FFB];
	_ =	sdelay $0x3  }
0xa: {  	_ =	strace s19  }
0xb: {  	s3 =	sld [smem:$0x3FFC];
	_ =	sdelay $0x3  }
0xc: {  	_ =	strace s3  }
0xd: {  	s3 =	sld [smem:$0x3FFD];
	_ =	sdelay $0x3  }
0xe: {  	_ =	strace s3  }
0xf: {  	_ =	strace $0x8FFFFFFF  }
0x10: {  	s20 =	sld [smem:$0x3FDB];
	_ =	sdelay $0x1  }
0x11: {  	s4 =	simm.s32 $_scs_section_size  }
0x12: {  	s5 =	simm.s32 $_size__tile_overlayer_lowered;
	s6 =	simm.s32 $_tile_overlayer_lowered  }
0x13: {  	s23 =	simm.s32 $0x1BFF;
	s22 =	sshll.u32 s6, $0x1;
	s3 =	sadd.s32 s4, s20  }
0x14: {  	s7 =	simm.s32 $0x0;
	s21 =	sshll.u32 s5, $0x1;
	s5 =	sadd.s32 s22, s3  }
0x15: {  	[timem:s7], [sflag:s23] =	dma.local [hbm:s5], s21  }
0x16: {  	_ =	swait.ge [sflag:s23], s21  }
0x17: {  	s4 =	ssub.s32 $0x0, s21;
	[sflag:s23] =	ssyncset.done $0x0  }
0x18: {  	[sflag:s23] =	ssyncadd.s32 s4;
	_ =	sdelay $0x1  }
0x19: {  	s24 =	simm.s32 $0x1B8B  }
0x1a: {  	_ =	swait.ge [sflag:s24], $0x1  }
0x1b: {  	[sflag:s24] =	ssyncset.done $0x0  }
0x1c: {  	s26 =	simm.s32 $0x1B8E;
	s25 =	sld [smem:$0x3FFE];
	[sflag:s24] =	ssyncadd.s32 $0xFFFFFFFF  }
0x1d: {  	s27 =	simm.s32 $execute0_lowered;
	[smem:$0x3FD2] =	sst s26  }
0x1e: {  	s5 =	sshll.u32 s27, $0x1;
	_ =	strace $0x80000049;
	[dreg:$0x1] =	wrdreg $0xFFFFFFFF  }
0x1f: {  	s28 =	simm.s32 $_size_execute0_lowered;
	s3 =	sadd.s32 s3, s5;
	[dreg:$0x0] =	wrdreg $0x0  }
0x20: {  	s5 =	sshll.u32 s28, $0x1;
	[dreg:$0x2] =	wrdreg s3  }
0x21: {  	[dreg:$0x3] =	wrdreg s5  }
0x22: {  	[dreg:$0x4] =	wrdreg $0xC0  }
0x23: {  	_ =	task [dreg:s7], $0x5FFFF  }
0x24: {  	[dreg:$0x1] =	wrdreg $0xFFFFFFFF  }
0x25: {  	[dreg:$0x0] =	wrdreg $0x60  }
0x26: {  	[dreg:$0x2] =	wrdreg s25  }
0x27: {  	[dreg:$0x3] =	wrdreg s2  }
0x28: {  	[dreg:$0x4] =	wrdreg $0x9  }
0x29: {  	_ =	task.clear_ibuf [dreg:s7], $0x5FFFF;
	_ =	strace $0x90000049  }
0x2a: {  	s29 =	simm.s32 $0x9;
	_ =	strace $0x8000004B  }
0x2b: {  	_ =	swait.ge [sflag:s29], $0x1  }
0x2c: {  	[sflag:s29] =	ssyncadd.s32 $0xFFFFFFFF  }
0x2d: {  	_ =	strace $0x9000004B  }
0x2e: {  	_ =	sfence  }
0x2f: {  	s30 =	sld [smem:$0x0];
	_ =	sdelay $0x2  }
0x30: {  	s31 =	sshll.u32 s1, $0xD;
	s1 =	sshrl.u32 s1, $0x2  }
0x31: {  	s3 =	sand.u32 $0x4000, s31;
	s1 =	sadd.s32 s1, s30  }
0x32: {  	s0 =	sor.u32 s3, s0;
	s1 =	sshll.u32 s1, $0x11  }
0x33: {  	s0 =	sor.u32 s1, s0  }
0x34: {  	s0 =	sadd.s32 $0x8F2B, s0  }
0x35: {  	[sflag:s0] =	ssyncadd.remote.s32 $0x1  }
0x36: {  	_ =	sfence.sel $0xFFFF  }
0x37: {  	[dreg:$0x0] =	wrdreg $0xFFFFFFFF;
	(pc) =	sbr.abs _section_cstart, $3  }
0x38: {  	[dreg:$0x1] =	wrdreg $0xFFFFFFFF  }
0x39: {  	_ =	task.clear_ibuf [dreg:s7], $0x2FFFF;
	_ =	strace $0x9FFFFFFF  }
0x3a: {  	(tm) =	ssettm $0x7FFFFFFF  }
0x3b: {  	_ =	shalt  }
tec
execute0_lowered:
.L_overlay_start_1:
0x0: {  	(tag) =	ssettag $0x1  }
0x1: {  	s0 =	srdreg.scid;
	s5 =	rddreg [dreg:$0x0]  }
0x2: {  	s3 =	rddreg [dreg:$0x1];
	s1 =	sshll.u32 s0, $0x4  }
0x3: {  	s7 =	simm.s32 $0x1;
	s0 =	stileid.u32;
	s1 =	sand.u32 $0x10, s1  }
0x4: {  	s8 =	simm.s32 $0x2;
	s15 =	simm.s32 $0x0;
	s1 =	sor.u32 s0, s1  }
0x5: {  	s14 =	simm.s32 $0x0;
	s9 =	simm.s32 $0x0;
	s2 =	sshll.u32 s1, $0x7  }
0x6: {  	s10 =	simm.s32 $0x0;
	s11 =	simm.s32 $0x0;
	s6 =	ssub.s32 $0x4000, s2  }
0x7: {  	s13 =	simm.s32 $0x0;
	s5 =	sadd.s32 $0x2E00, s5;
	s4 =	sand.u32 $0xF80, s6  }
.Ltmp0:
0x8: {  	s1 =	rddreg [dreg:$0x2];
	p0 =	sne.s32 s4, $0x0;
	(pc) =	sbr.rel .LBB1_1-.Ltmp0, $4  }
0x9: {  	_ =	strace $0x8000004A;
	s6 =	sshrl.u32 s6, $0xC;
	s7 =	simm.s32 @!p0 $0x0  }
0xa: {  	s12 =	smov.u32 s2;
	s4 =	simm.s32 $0x1;
	s6 =	sadd.s32 s7, s6  }
0xb: {  	[sflag:s4] =	ssyncpa.u1 $0x0;
	p0 =	por $0x0, $0x0;
	s6 =	sshll.u32 s6, $0x3  }
0xc: {  	[sflag:s8] =	ssyncpa.u1 $0x0;
	s8 =	simm.s32 $0x20000;
	s7 =	sor.u32 $0x1, s6  }
.LBB1_4:
0xd: {  	s20 =	sshra.s32 s20, $0x2;
	s30 =	sand.u32 $0x78, s10;
	s21 =	sshll.u32 s10, $0x3  }
0xe: {  	v5 =	vld [tilespmem:s17+$0xFFFFFFD0];
	[tilespmem:s18+$0x2040 ss:$0x81] =	vst.msk $0xffff, v4;
	p1 =	sgt.s32 s9, $0x7;
	s22 =	smov.u32 s9;
	s23 =	sshra.s32 s9, $0x1F  }
0xf: {  	v58 =	vld [tilespmem:s17+$0xFFFFFFE0];
	[tilespmem:s18+$0x2850 ss:$0x81] =	vst.msk $0xffff, v3;
	s24 =	sshra.s32 s10, $0x1F;
	s25 =	sshll.u32 s9, $0x7;
	s19 =	sadd.s32 s20, s19  }
0x10: {  	v59 =	vld [tilespmem:s17+$0xFFFFFFF0];
	[tilespmem:s18+$0x3060 ss:$0x81] =	vst.msk $0xffff, v2;
	s21 =	sand.u32 $0x3C00, s21;
	s22 =	simm.s32 @!p1 $0x7;
	s31 =	sand.u32 s23, s9  }
0x11: {  	v60 =	vld [tilespmem:s17+$0x0];
	[tilespmem:s18+$0x0 ss:$0x81] =	vst.msk $0xffff, v1;
	p1 =	sgt.s32 s10, $0x3F80;
	s20 =	sor.u32 s30, s21;
	s21 =	smov.u32 s10  }
0x12: {  	v61 =	vld [tilespmem:s17+$0x10];
	s23 =	ssub.s32 s22, s31;
	[tilespmem:s19+$0x3870 ss:$0x81] =	vst.msk $0xffff, v0;
	s22 =	sand.u32 s24, s10;
	s21 =	simm.s32 @!p1 $0x3F80  }
0x13: {  	v62 =	vld [tilespmem:s17+$0x20];
	s29 =	sand.u32 $0x3800, s10;
	s18 =	ssub.s32 $0x8, s23;
	s21 =	ssub.s32 s21, s22;
	[tilespmem:s19+$0x810 ss:$0x81] =	vst.msk $0xffff, v5  }
0x14: {  	v63 =	vld [tilespmem:s17+$0xFFFFFFC0];
	s26 =	sadd.s32 $0xFFFFFFF9, s23;
	s17 =	smul.u32 $0x41, s18;
	[tilespmem:s19+$0x1020 ss:$0x81] =	vst.msk $0xffff, v58;
	s27 =	sadd.s32 $0xFFFFC080, s21  }
0x15: {  	p1 =	sgt.s32 s26, $0x0;
	[tilespmem:s19+$0x1830 ss:$0x81] =	vst.msk $0xffff, v59;
	s21 =	ssub.s32 $0x4000, s21;
	p2 =	sgt.s32 s27, $0x7F  }
0x16: {  	s28 =	sand.u32 $0x380, s25;
	[tilespmem:s19+$0x2040 ss:$0x81] =	vst.msk $0xffff, v60;
	s17 =	simm.s32 @p1 $0x0;
	s21 =	simm.s32 @p2 $0x0  }
0x17: {  	s30 =	sand.u32 $0x7, s10;
	s18 =	sor.u32 s28, s20;
	[tilespmem:s19+$0x2850 ss:$0x81] =	vst.msk $0xffff, v61;
	s17 =	smul.u32 s21, s17  }
0x18: {  	s20 =	sadd.s32 s3, s29;
	[tilespmem:s19+$0x3060 ss:$0x81] =	vst.msk $0xffff, v62;
	s18 =	sshrl.u32 s18, $0x3;
	s21 =	sshll.u32 s30, $0x12  }
0x19: {  	[tilespmem:s19+$0x0 ss:$0x81] =	vst.msk $0xffff, v63;
	s18 =	sadd.s32 s18, s20;
	s31 =	sor.u32 $0x80, s21;
	s17 =	sand.u32 $0x3FFFFFFF, s17  }
0x1a: {  	[hbm4b:s18+s31] =	stream.strided.scatter [tilespmem:s16], [sflag:$0x2], s17, s8, s31, $0x20;
	[tilespmem:$0x10100] =	vst v63  }
.LBB1_5:
0x1b: {  	p1 =	slt.u32 s13, $0x2  }
0x1c: {  	s17 =	smov.u32 s15;
	p2 =	sgt.s32 @!p1 s15, $0x7;
	s16 =	sshra.s32 @!p1 s15, $0x1F  }
0x1d: {  	p3 =	sgt.s32 @!p1 s14, $0x3F80;
	s18 =	sshra.s32 @!p1 s14, $0x1F;
	p2 =	por !p2, p1  }
0x1e: {  	s15 =	sand.u32 @!p1 s16, s15;
	p3 =	por !p3, p1;
	s16 =	smov.u32 s14  }
0x1f: {  	s14 =	sand.u32 @!p1 s18, s14;
	s17 =	simm.s32 @p2 $0x7;
	s16 =	simm.s32 @p3 $0x3F80  }
0x20: {  	s18 =	smov.u32 s12;
	s15 =	ssub.s32 @!p1 s17, s15;
	s14 =	ssub.s32 @!p1 s16, s14  }
0x21: {  	s16 =	sadd.s32 @!p1 $0xFFFFFFF9, s15;
	s15 =	ssub.s32 @!p1 $0x8, s15;
	s17 =	sadd.s32 @!p1 $0xFFFFC080, s14  }
0x22: {  	p2 =	sgt.s32 @!p1 s16, $0x0;
	s15 =	smul.u32 @!p1 $0x41, s15;
	p3 =	sgt.s32 @!p1 s17, $0x7F  }
0x23: {  	s14 =	ssub.s32 @!p1 $0x4000, s14;
	p2 =	por !p2, p1;
	p3 =	por !p3, p1  }
0x24: {  	s16 =	sadd.s32 $0x1, s11;
	s15 =	simm.s32 @!p2 $0x0;
	s14 =	simm.s32 @!p3 $0x0  }
0x25: {  	p2 =	sgt.s32 s16, $0x7;
	s14 =	smul.u32 @!p1 s14, s15;
	s15 =	sadd.s32 $0x1000, s12  }
0x26: {  	s18 =	smov.u32 @p2 s15  }
0x27: {  	s16 =	simm.s32 @p2 $0x0;
	p2 =	sgt.s32 s18, $0x3FFF  }
0x28: {  	s18 =	smov.u32 @p2 s2;
	p2 =	sne.s32 s13, s7  }
.Ltmp1:
0x29: {  	p0 =	por !p0, !p0;
	s17 =	simm.s32 @!p1 $0x2;
	(pc) =	sbr.rel @!p2 .LBB1_6-.Ltmp1, $4  }
0x2a: {  	s15 =	smov.u32 s9;
	s9 =	smov.u32 s11;
	s14 =	sand.u32 @!p1 $0x3FFFFFFF, s14  }
0x2b: {  	s11 =	smov.u32 s16;
	_ =	swait.ge @!p1 [sflag:s17], s14;
	s19 =	ssub.s32 @!p1 $0x0, s14  }
0x2c: {  	s14 =	smov.u32 s10;
	s13 =	sadd.s32 $0x1, s13;
	[sflag:s17] =	ssyncset.done @!p1 $0x0  }
0x2d: {  	s10 =	smov.u32 s12;
	s12 =	smov.u32 s18;
	[sflag:s17] =	ssyncadd.s32 @!p1 s19  }
.LBB1_1:
0x2e: {  	p1 =	sge.u32 s13, s6  }
0x2f: {  	s31 =	sadd.s32 $0xFFFFFFFF, s13;
	s16 =	sxor.u32 @!p1 $0xFFFFFFFF, s13  }
0x30: {  	s17 =	sshll.u32 @!p1 s12, $0x7;
	s18 =	sshll.u32 @!p1 s11, $0x4;
	s19 =	simm.s32 @!p1 $0x400  }
0x31: {  	s16 =	sshll.u32 @!p1 s16, $0xE;
	s18 =	sand.u32 @!p1 $0x70, s18;
	s17 =	sadd.s32 @!p1 s5, s17  }
0x32: {  	s16 =	sand.u32 @!p1 $0x4000, s16;
	s17 =	sadd.s32 @!p1 s18, s17;
	s18 =	simm.s32 @!p1 $0x80  }
0x33: {  	[tilespmem:s16], [sflag:$0x1] =	stream.strided.gather @!p1 [hbm4b:s17+s18], $0x4000, s19, s18, $0x38;
	[tilespmem:$0x10100] =	vst v63  }
0x34: {  	p1 =	sge.u32 s31, s6  }
.Ltmp2:
0x35: {  	_ = 	snop;
	(pc) =	sbr.rel @p1 .LBB1_5-.Ltmp2, $1  }
0x36: {  	_ =	sdelay $0x3  }
0x37: {  	s16 =	simm.s32 $0x1  }
0x38: {  	_ =	swait.ge [sflag:s4], $0x4000;
	s16 =	simm.s32 @!p0 $0x0  }
0x39: {  	[sflag:s4] =	ssyncset.done $0x0;
	s17 =	sshll.u32 s16, $0xE  }
0x3a: {  	[sflag:s4] =	ssyncadd.s32 $0xFFFFC000;
	s17 =	sor.u32 $0x40, s17  }
0x3b: {  	s16 =	smul.u32 $0x10200, s16;
	v0 =	vld [tilespmem:s17+$0x30]  }
0x3c: {  	v1 =	vld [tilespmem:s17+$0xFFFFFFD0]  }
0x3d: {  	s16 =	sshrl.u32 s16, $0x2;
	v5 =	vld [tilespmem:s17+$0xFFFFFFE0]  }
0x3e: {  	v6 =	vld [tilespmem:s17+$0xFFFFFFF0];
	s19 =	sor.u32 $0x8000, s16  }
0x3f: {  	s31 =	sand.u32 $0x1, s13;
	v4 =	vld [tilespmem:s17+$0x0];
	s18 =	sadd.s32 $0x0, s19  }
0x40: {  	v3 =	vld [tilespmem:s17+$0x10];
	s16 =	smul.u32 $0x10200, s31;
	[tilespmem:s18+$0x3870 ss:$0x81] =	vst.msk $0xffff, v0  }
0x41: {  	v2 =	vld [tilespmem:s17+$0x20];
	[tilespmem:s18+$0x810 ss:$0x81] =	vst.msk $0xffff, v1  }
0x42: {  	s16 =	sshrl.u32 s16, $0x2;
	v1 =	vld [tilespmem:s17+$0xFFFFFFC0];
	[tilespmem:s18+$0x1020 ss:$0x81] =	vst.msk $0xffff, v5;
	s17 =	sadd.s32 $0x80, s17  }
0x43: {  	s20 =	simm.s32 $0x4;
	s21 =	simm.s32 $0x8;
	s16 =	sor.u32 $0x8000, s16;
	[tilespmem:s18+$0x1830 ss:$0x81] =	vst.msk $0xffff, v6;
	v0 =	vld [tilespmem:s17+$0x30]  }
.LBB1_3:
0x44: {  	p1 =	sne.s32 s21, $0x1FC;
	v5 =	vld [tilespmem:s17+$0xFFFFFFD0];
	[tilespmem:s18+$0x2040 ss:$0x81] =	vst.msk $0xffff, v4  }
0x45: {  	v6 =	vld [tilespmem:s17+$0xFFFFFFE0];
	[tilespmem:s18+$0x2850 ss:$0x81] =	vst.msk $0xffff, v3  }
0x46: {  	s22 =	sshra.s32 s20, $0x2;
	s20 =	smov.u32 s21;
	v7 =	vld [tilespmem:s17+$0xFFFFFFF0];
	[tilespmem:s18+$0x3060 ss:$0x81] =	vst.msk $0xffff, v2  }
.Ltmp3:
0x47: {  	v4 =	vld [tilespmem:s17+$0x0];
	[tilespmem:s18+$0x0 ss:$0x81] =	vst.msk $0xffff, v1;
	s18 =	sadd.s32 s22, s19;
	(pc) =	sbr.rel @p1 .LBB1_3-.Ltmp3, $4  }
0x48: {  	v3 =	vld [tilespmem:s17+$0x10];
	[tilespmem:s18+$0x3870 ss:$0x81] =	vst.msk $0xffff, v0  }
0x49: {  	[tilespmem:s18+$0x810 ss:$0x81] =	vst.msk $0xffff, v5;
	v2 =	vld [tilespmem:s17+$0x20]  }
0x4a: {  	v1 =	vld [tilespmem:s17+$0xFFFFFFC0];
	[tilespmem:s18+$0x1020 ss:$0x81] =	vst.msk $0xffff, v6;
	s17 =	sadd.s32 $0x80, s17  }
0x4b: {  	s21 =	sadd.s32 $0x4, s21;
	v0 =	vld [tilespmem:s17+$0x30];
	[tilespmem:s18+$0x1830 ss:$0x81] =	vst.msk $0xffff, v7  }
.Ltmp4:
0x4c: {  	_ = 	snop;
	(pc) =	sbr.rel .LBB1_4-.Ltmp4, $1  }
0x4d: {  	_ =	sdelay $0x3  }
.LBB1_6:
0x4e: {  	_ =	sfence.sel $0x180000  }
0x4f: {  	s2 =	simm.s32 $0x1;
	[bflag:$0x0] =	sbarrier.arrive $0xFFFF  }
0x50: {  	s31 =	simm.s32 $0x2;
	[sflag:s2] =	ssyncpa.u1 $0x1  }
0x51: {  	[sflag:s31] =	ssyncpa.u1 $0x1  }
0x52: {  	p0 =	sne.s32 s0, $0x0;
	_ =	strace $0x9000004A  }
0x53: {  	s0 =	sadd.s32 @!p0 $0x100000, s1;
	[bflag:$0x2] =	sbarrier.arrive $0xFFFF  }
0x54: {  	[sflag:s0] =	ssyncadd.tile.s32 @!p0 $0x1;
	_ =	shalt  }
.Lfunc_end1:
_tile_overlayer_lowered:
.L_overlay_start_2:
0x55: {  	(tag) =	ssettag $0x2  }
0x56: {  	s0 =	rddreg [dreg:$0x0];
	s2 =	stileid.u32  }
0x57: {  	s1 =	rddreg [dreg:$0x1];
	p0 =	sne.s32 s2, $0x0  }
0x58: {  	s3 =	rddreg [dreg:$0x2];
	[bflag:$0x3] =	sbarrier.arrive $0xFFFF;
	s2 =	simm.s32 @!p0 $0x1C01  }
0x59: {  	[timem:s3], [sflag:s2] =	dma.local @!p0 [hbm:s0], s1  }
0x5a: {  	s0 =	simm.s32 @!p0 $0x1  }
0x5b: {  	_ =	swait.ge @!p0 [sflag:s0], s1  }
0x5c: {  	s1 =	ssub.s32 @!p0 $0x0, s1;
	[sflag:s0] =	ssyncset.done @!p0 $0x0  }
0x5d: {  	[sflag:s0] =	ssyncadd.s32 @!p0 s1  }
0x5e: {  	[bflag:$0x3] =	sbarrier.arrive $0xFFFF  }
0x5f: {  	_ =	shalt  }

</sc_bundles>
